<compile_context>
chip_gen: v7x
topology: tpu7x:2x2x1
jax: 0.10.2.dev20260603
libtpu: 0.0.44.dev20260713+nightly
codegen_flags: <defaults>
</compile_context>

<pallas_src>
import functools

import jax
import jax.numpy as jnp
from jax import lax
from jax.experimental import pallas as pl
from jax.experimental.pallas import tpu as pltpu
from jax.experimental.pallas import tpu_sc as plsc

VOCAB = 100000
DIM = 64
N_CTX = 2
DOUT = N_CTX * DIM
B = 4096
L = 50
LP = L // 2
N = B * L

NC = 2
NS = 16
NW = NC * NS
PER_W = N // NW
CHUNK = 128
NCH = PER_W // CHUNK
BPW = B // NW



_sc_mesh = plsc.VectorSubcoreMesh(core_axis_name="c", subcore_axis_name="s")


def _make_gather(nplanes, p_off):
    n_out = nplanes * 2 * B
    nch = n_out // NW // CHUNK

    @functools.partial(
        pl.kernel,
        out_type=jax.ShapeDtypeStruct((n_out, DIM), jnp.float32),
        mesh=_sc_mesh,
        compiler_params=pltpu.CompilerParams(
            use_tc_tiling_on_sc=False, needs_layout_passes=False),
        scratch_types=[
            pltpu.VMEM((BPW * 128,), jnp.int32),
            pltpu.VMEM((CHUNK,), jnp.int32),
            pltpu.VMEM((CHUNK,), jnp.int32),
            pltpu.VMEM((CHUNK, DIM), jnp.float32),
            pltpu.VMEM((CHUNK, DIM), jnp.float32),
            pltpu.SemaphoreType.DMA,
            pltpu.SemaphoreType.DMA,
        ],
    )
    def _sc_gather(tab_hbm, idx_hbm, out_hbm,
                   slab_v, idxc0, idxc1, buf0, buf1, sem0, sem1):
        wid = lax.axis_index("s") * NC + lax.axis_index("c")

        pltpu.sync_copy(idx_hbm.at[pl.ds(wid * BPW * 128, BPW * 128)], slab_v)

        lam = lax.iota(jnp.int32, 16)
        off = (lam >> 1) * 128 + (lam & 1)

        idxcs = (idxc0, idxc1)
        bufs = (buf0, buf1)
        sems = (sem0, sem1)

        def _build(c, slot):
            p = c >> 1
            h = c & 1
            dst = idxcs[slot]
            base0 = h * (CHUNK // 2) * 128 + 2 * (p + p_off)
            for g in range(CHUNK // 16):
                sv = off + (base0 + (g * 8) * 128)
                v = plsc.load_gather(slab_v, [sv])
                dst[pl.ds(g * 16, 16)] = v

        def _out_base(c):
            p = c >> 1
            h = c & 1
            return p * (2 * B) + wid * (2 * BPW) + h * CHUNK

        def _start(slot):
            pltpu.make_async_copy(
                tab_hbm.at[idxcs[slot]], bufs[slot], sems[slot]).start()

        def _finish(c, slot):
            pltpu.make_async_copy(
                tab_hbm.at[idxcs[slot]], bufs[slot], sems[slot]).wait()
            pltpu.sync_copy(bufs[slot],
                            out_hbm.at[pl.ds(_out_base(c), CHUNK)])

        _build(0, 0)
        _start(0)

        def _body(t, carry):
            c0 = 2 * t
            _build(c0 + 1, 1)
            _start(1)
            _finish(c0, 0)

            @pl.when(c0 + 2 < nch)
            def _():
                _build(c0 + 2, 0)
                _start(0)

            _finish(c0 + 1, 1)
            return carry

        lax.fori_loop(0, nch // 2, _body, 0)

    return _sc_gather


_PSPLIT = 12
_gather_a = _make_gather(_PSPLIT, 0)
_gather_b = _make_gather(LP - _PSPLIT, _PSPLIT)



_BB = 4096
_NQ = 12


def _quad_body(e_ref, w_ref, o_ref):
    eq = jnp.concatenate([e_ref[0], e_ref[1]], axis=1)
    res = lax.dot_general(
        w_ref[...], eq,
        dimension_numbers=(((1,), (1,)), ((), ())),
        preferred_element_type=jnp.float32)
    for r in range(4):
        o_ref[r] = res[DOUT * r:DOUT * (r + 1)]


def _quad_body_aliased(o_prev_ref, e_ref, w_ref, o_ref):
    del o_prev_ref
    _quad_body(e_ref, w_ref, o_ref)


def _project_quads_a(e2, w4):
    return pl.pallas_call(
        _quad_body,
        grid=(_PSPLIT // 2, B // _BB),
        in_specs=[
            pl.BlockSpec((2, _BB, 2 * DIM), lambda g, b: (g, b, 0)),
            pl.BlockSpec((4 * DOUT, 4 * DIM), lambda g, b: (0, 0)),
        ],
        out_specs=pl.BlockSpec((4, DOUT, _BB), lambda g, b: (g, 0, b)),
        out_shape=jax.ShapeDtypeStruct((L, DOUT, B), jnp.float32),
    )(e2, w4)


def _project_quads_b(out_prev, e2, w4):
    goff = _PSPLIT // 2
    return pl.pallas_call(
        _quad_body_aliased,
        grid=(_PSPLIT // 2, B // _BB),
        in_specs=[
            pl.BlockSpec(memory_space=pl.ANY),
            pl.BlockSpec((2, _BB, 2 * DIM), lambda g, b: (g, b, 0)),
            pl.BlockSpec((4 * DOUT, 4 * DIM), lambda g, b: (0, 0)),
        ],
        out_specs=pl.BlockSpec((4, DOUT, _BB), lambda g, b: (g + goff, 0, b)),
        out_shape=jax.ShapeDtypeStruct((L, DOUT, B), jnp.float32),
        input_output_aliases={0: 0},
    )(out_prev, e2, w4)


def _pair_body(o_prev_ref, e_ref, w_ref, o_ref):
    del o_prev_ref
    res = lax.dot_general(
        w_ref[...], e_ref[0],
        dimension_numbers=(((1,), (1,)), ((), ())),
        preferred_element_type=jnp.float32)
    o_ref[0] = res[:DOUT]
    o_ref[1] = res[DOUT:]


def _project_last_pair(out_prev, e2, w2):
    nb = LP - _PSPLIT
    return pl.pallas_call(
        _pair_body,
        grid=(B // _BB,),
        in_specs=[
            pl.BlockSpec(memory_space=pl.ANY),
            pl.BlockSpec((1, _BB, 2 * DIM), lambda b: (nb - 1, b, 0)),
            pl.BlockSpec((2 * DOUT, 2 * DIM), lambda b: (0, 0)),
        ],
        out_specs=pl.BlockSpec((2, DOUT, _BB), lambda b: (LP - 1, 0, b)),
        out_shape=jax.ShapeDtypeStruct((L, DOUT, B), jnp.float32),
        input_output_aliases={0: 0},
    )(out_prev, e2, w2)




def kernel(x, table, linear_layers_in):
    idx = jnp.pad(x.astype(jnp.int32), ((0, 0), (0, 128 - L))).reshape(B * 128)
    emb_a = _gather_a(table, idx)
    emb_b = _gather_b(table, idx)
    e2a = emb_a.reshape(_PSPLIT, B, 2 * DIM)
    e2b = emb_b.reshape(LP - _PSPLIT, B, 2 * DIM)
    w_t = jnp.transpose(linear_layers_in, (0, 2, 1)).reshape(DOUT, DIM)
    w4 = jnp.einsum('gh,ce->gche', jnp.eye(4, dtype=jnp.float32),
                    w_t).reshape(4 * DOUT, 4 * DIM)
    w2 = w4[:2 * DOUT, :2 * DIM]
    out_q = _project_quads_a(e2a, w4)
    out_q = _project_quads_b(out_q, e2b, w4)
    out_phys = _project_last_pair(out_q, e2b, w2)
    return out_phys.reshape(L, N_CTX, DIM, B).transpose(3, 0, 1, 2)

# --- scband reference (transcript-rebuilt; emitter-appended) ---
"""Pipeline reference for scband-recommender-model-80547816670017 (READ-ONLY COPY).

The authoritative reference and input builder live on the scoring server;
editing this copy changes nothing except your own understanding.
"""

import jax, jax.numpy as jnp
import numpy as np

VOCAB = 100000
DIM = 64
B = 4096
L = 50
N_CTX = 2  # len(KEYS_CONTEXT_TYPE)


def setup_inputs(seed: int = 0) -> dict:
    key = jax.random.key(seed)
    k1, k2, k3 = jax.random.split(key, 3)
    x = jax.random.randint(k1, (B, L), 0, VOCAB, dtype=jnp.int64)
    # pretrained embedding table (the `vectors` numpy array in torch)
    table = jax.random.normal(k2, (VOCAB, DIM), dtype=jnp.float32)
    # nn.init.uniform_(-0.05, 0.05)
    linear_layers_in = jax.random.uniform(k3, (N_CTX, DIM, DIM), dtype=jnp.float32, minval=-0.05, maxval=0.05)
    return {"x": x, "table": table, "linear_layers_in": linear_layers_in}


def reference(x, table, linear_layers_in):
    # embedding lookup (nn.Embedding.from_pretrained)
    emb = jnp.take(table, x, axis=0)  # [B, L, D]
    # apply per-context-type linear transform (linear_layers_in)
    out = jnp.einsum('bld,kde->blke', emb, linear_layers_in)  # [B, L, N_CTX, D]
    return out

if __name__ == "__main__":
    import jax
    _d = setup_inputs()
    print(jax.jit(kernel)(*tuple(_d.values())))

</pallas_src>

<mosaic_0001>
#map = affine_map<(d0, d1) -> (0, 0)>
#map1 = affine_map<(d0, d1) -> (0)>
module attributes {stable_mosaic.version = 14 : i64} {
  func.func @_sc_gather(%arg0: i32, %arg1: i32, %arg2: memref<100000x64xf32, #tpu.memory_space<hbm>>, %arg3: memref<524288xi32, #tpu.memory_space<hbm>>, %arg4: memref<106496x64xf32, #tpu.memory_space<hbm>>, %arg5: memref<16384xi32, #tpu.memory_space<vmem>>, %arg6: memref<128xi32, #tpu.memory_space<vmem>>, %arg7: memref<128xi32, #tpu.memory_space<vmem>>, %arg8: memref<128x64xf32, #tpu.memory_space<vmem>>, %arg9: memref<128x64xf32, #tpu.memory_space<vmem>>, %arg10: memref<!tpu.dma_semaphore, #tpu.memory_space<semaphore_mem>>, %arg11: memref<!tpu.dma_semaphore, #tpu.memory_space<semaphore_mem>>) attributes {dimension_semantics = [#tpu.dimension_semantics<core_parallel>, #tpu.dimension_semantics<subcore_parallel>], iteration_bounds = array<i64: 2, 16>, scalar_prefetch = 0 : i64, scratch_operands = 7 : i64, tpu.core_type = #tpu.core_type<sc_vector_subcore>, window_params = [{transform_indices = #map}, {transform_indices = #map1}, {transform_indices = #map}]} {
    %mul3A = arith.constant 2 : i32
    %mul3A_0 = arith.muli %arg1, %mul3A : i32
    %add3A = arith.addi %mul3A_0, %arg0 : i32
    %mul3A_1 = arith.constant 128 : i32
    %mul3A_2 = arith.muli %add3A, %mul3A_1 : i32
    %mul3A_3 = arith.constant 128 : i32
    %mul3A_4 = arith.muli %mul3A_2, %mul3A_3 : i32
    "tpu.region"() ({
      %run_scoped3A = tpu.sem_alloc : memref<!tpu.dma_semaphore, #tpu.memory_space<semaphore_mem>>
      %dma_start3A_66 = tpu.memref_slice %arg3[%mul3A_4] : memref<524288xi32, #tpu.memory_space<hbm>> -> memref<16384xi32, #tpu.memory_space<hbm>>
      %dma_start3A_67 = tpu.memref_slice %arg3[%mul3A_4] : memref<524288xi32, #tpu.memory_space<hbm>> -> memref<16384xi32, #tpu.memory_space<hbm>>
      tpu.enqueue_dma source(%dma_start3A_67 : memref<16384xi32, #tpu.memory_space<hbm>>) target(%arg5 : memref<16384xi32, #tpu.memory_space<vmem>>) target_semaphore(%run_scoped3A : memref<!tpu.dma_semaphore, #tpu.memory_space<semaphore_mem>>)
      %dma_wait3A = tpu.memref_slice %arg3[%mul3A_4] : memref<524288xi32, #tpu.memory_space<hbm>> -> memref<16384xi32, #tpu.memory_space<hbm>>
      %dma_wait3A_68 = tpu.memref_slice %arg3[%mul3A_4] : memref<524288xi32, #tpu.memory_space<hbm>> -> memref<16384xi32, #tpu.memory_space<hbm>>
      tpu.wait_dma2 semaphore(%run_scoped3A : memref<!tpu.dma_semaphore, #tpu.memory_space<semaphore_mem>>) src(%dma_wait3A_68 : memref<16384xi32, #tpu.memory_space<hbm>>) dst(%arg5 : memref<16384xi32, #tpu.memory_space<vmem>>)
      tpu.yield
    }) : () -> ()
    %iota3A = tpu.iota {dimensions = array<i32: 0>} : vector<16xi32>
    %shift_right_arithmetic3A = arith.constant 1 : i32
    %shift_right_arithmetic3A_5 = vector.broadcast %shift_right_arithmetic3A : i32 to vector<16xi32>
    %shift_right_arithmetic3A_6 = arith.shrsi %iota3A, %shift_right_arithmetic3A_5 : vector<16xi32>
    %mul3A_7 = arith.constant 128 : i32
    %mul3A_8 = vector.broadcast %mul3A_7 : i32 to vector<16xi32>
    %mul3A_9 = arith.muli %shift_right_arithmetic3A_6, %mul3A_8 : vector<16xi32>
    %and3A = arith.constant 1 : i32
    %and3A_10 = vector.broadcast %and3A : i32 to vector<16xi32>
    %and3A_11 = arith.andi %iota3A, %and3A_10 : vector<16xi32>
    %add3A_12 = arith.addi %mul3A_9, %and3A_11 : vector<16xi32>
    %add3A_13 = arith.constant 24 : i32
    %add3A_14 = vector.broadcast %add3A_13 : i32 to vector<16xi32>
    %add3A_15 = arith.addi %add3A_12, %add3A_14 : vector<16xi32>
    %gather3A = tpu.vector_load_idx %arg5[%add3A_15] : memref<16384xi32, #tpu.memory_space<vmem>>[vector<16xi32>], vector<16xi32>,
    %swap3A = arith.constant 0 : index
    %swap3A_16 = tpu.vector_load %arg6[%swap3A] {strides = array<i32>} : memref<128xi32, #tpu.memory_space<vmem>>, vector<16xi32>,
    tpu.vector_store %arg6[%swap3A], %gather3A {strides = array<i32>} : memref<128xi32, #tpu.memory_space<vmem>>, vector<16xi32>,
    %add3A_17 = arith.constant 1048 : i32
    %add3A_18 = vector.broadcast %add3A_17 : i32 to vector<16xi32>
    %add3A_19 = arith.addi %add3A_12, %add3A_18 : vector<16xi32>
    %gather3A_20 = tpu.vector_load_idx %arg5[%add3A_19] : memref<16384xi32, #tpu.memory_space<vmem>>[vector<16xi32>], vector<16xi32>,
    %swap3A_21 = arith.constant 16 : index
    %swap3A_22 = tpu.vector_load %arg6[%swap3A_21] {strides = array<i32>} : memref<128xi32, #tpu.memory_space<vmem>>, vector<16xi32>,
    tpu.vector_store %arg6[%swap3A_21], %gather3A_20 {strides = array<i32>} : memref<128xi32, #tpu.memory_space<vmem>>, vector<16xi32>,
    %add3A_23 = arith.constant 2072 : i32
    %add3A_24 = vector.broadcast %add3A_23 : i32 to vector<16xi32>
    %add3A_25 = arith.addi %add3A_12, %add3A_24 : vector<16xi32>
    %gather3A_26 = tpu.vector_load_idx %arg5[%add3A_25] : memref<16384xi32, #tpu.memory_space<vmem>>[vector<16xi32>], vector<16xi32>,
    %swap3A_27 = arith.constant 32 : index
    %swap3A_28 = tpu.vector_load %arg6[%swap3A_27] {strides = array<i32>} : memref<128xi32, #tpu.memory_space<vmem>>, vector<16xi32>,
    tpu.vector_store %arg6[%swap3A_27], %gather3A_26 {strides = array<i32>} : memref<128xi32, #tpu.memory_space<vmem>>, vector<16xi32>,
    %add3A_29 = arith.constant 3096 : i32
    %add3A_30 = vector.broadcast %add3A_29 : i32 to vector<16xi32>
    %add3A_31 = arith.addi %add3A_12, %add3A_30 : vector<16xi32>
    %gather3A_32 = tpu.vector_load_idx %arg5[%add3A_31] : memref<16384xi32, #tpu.memory_space<vmem>>[vector<16xi32>], vector<16xi32>,
    %swap3A_33 = arith.constant 48 : index
    %swap3A_34 = tpu.vector_load %arg6[%swap3A_33] {strides = array<i32>} : memref<128xi32, #tpu.memory_space<vmem>>, vector<16xi32>,
    tpu.vector_store %arg6[%swap3A_33], %gather3A_32 {strides = array<i32>} : memref<128xi32, #tpu.memory_space<vmem>>, vector<16xi32>,
    %add3A_35 = arith.constant 4120 : i32
    %add3A_36 = vector.broadcast %add3A_35 : i32 to vector<16xi32>
    %add3A_37 = arith.addi %add3A_12, %add3A_36 : vector<16xi32>
    %gather3A_38 = tpu.vector_load_idx %arg5[%add3A_37] : memref<16384xi32, #tpu.memory_space<vmem>>[vector<16xi32>], vector<16xi32>,
    %swap3A_39 = arith.constant 64 : index
    %swap3A_40 = tpu.vector_load %arg6[%swap3A_39] {strides = array<i32>} : memref<128xi32, #tpu.memory_space<vmem>>, vector<16xi32>,
    tpu.vector_store %arg6[%swap3A_39], %gather3A_38 {strides = array<i32>} : memref<128xi32, #tpu.memory_space<vmem>>, vector<16xi32>,
    %add3A_41 = arith.constant 5144 : i32
    %add3A_42 = vector.broadcast %add3A_41 : i32 to vector<16xi32>
    %add3A_43 = arith.addi %add3A_12, %add3A_42 : vector<16xi32>
    %gather3A_44 = tpu.vector_load_idx %arg5[%add3A_43] : memref<16384xi32, #tpu.memory_space<vmem>>[vector<16xi32>], vector<16xi32>,
    %swap3A_45 = arith.constant 80 : index
    %swap3A_46 = tpu.vector_load %arg6[%swap3A_45] {strides = array<i32>} : memref<128xi32, #tpu.memory_space<vmem>>, vector<16xi32>,
    tpu.vector_store %arg6[%swap3A_45], %gather3A_44 {strides = array<i32>} : memref<128xi32, #tpu.memory_space<vmem>>, vector<16xi32>,
    %add3A_47 = arith.constant 6168 : i32
    %add3A_48 = vector.broadcast %add3A_47 : i32 to vector<16xi32>
    %add3A_49 = arith.addi %add3A_12, %add3A_48 : vector<16xi32>
    %gather3A_50 = tpu.vector_load_idx %arg5[%add3A_49] : memref<16384xi32, #tpu.memory_space<vmem>>[vector<16xi32>], vector<16xi32>,
    %swap3A_51 = arith.constant 96 : index
    %swap3A_52 = tpu.vector_load %arg6[%swap3A_51] {strides = array<i32>} : memref<128xi32, #tpu.memory_space<vmem>>, vector<16xi32>,
    tpu.vector_store %arg6[%swap3A_51], %gather3A_50 {strides = array<i32>} : memref<128xi32, #tpu.memory_space<vmem>>, vector<16xi32>,
    %add3A_53 = arith.constant 7192 : i32
    %add3A_54 = vector.broadcast %add3A_53 : i32 to vector<16xi32>
    %add3A_55 = arith.addi %add3A_12, %add3A_54 : vector<16xi32>
    %gather3A_56 = tpu.vector_load_idx %arg5[%add3A_55] : memref<16384xi32, #tpu.memory_space<vmem>>[vector<16xi32>], vector<16xi32>,
    %swap3A_57 = arith.constant 112 : index
    %swap3A_58 = tpu.vector_load %arg6[%swap3A_57] {strides = array<i32>} : memref<128xi32, #tpu.memory_space<vmem>>, vector<16xi32>,
    tpu.vector_store %arg6[%swap3A_57], %gather3A_56 {strides = array<i32>} : memref<128xi32, #tpu.memory_space<vmem>>, vector<16xi32>,
    %dma_start3A = arith.constant 0 : i32
    %dma_start3A_59 = arith.constant 0 : i32
    %dma_start3A_60 = tpu.memref_slice %arg2[%dma_start3A, %dma_start3A_59] : memref<100000x64xf32, #tpu.memory_space<hbm>> -> memref<100000x64xf32, #tpu.memory_space<hbm>>
    tpu.enqueue_indirect_dma source(%dma_start3A_60 : memref<100000x64xf32, #tpu.memory_space<hbm>>) target(%arg8 : memref<128x64xf32, #tpu.memory_space<vmem>>) offsets(%arg6 : memref<128xi32, #tpu.memory_space<vmem>>) semaphore(%arg10 : memref<!tpu.dma_semaphore, #tpu.memory_space<semaphore_mem>>)
    %scan3A = arith.constant 0 : i32
    %scan3A_61 = arith.constant 0 : i32
    %scan3A_62 = arith.constant 13 : i32
    %scan3A_63 = arith.addi %scan3A_61, %scan3A_62 : i32
    %scan3A_64 = arith.constant 1 : i32
    scf.for %scan3A_66 = %scan3A_61 to %scan3A_63 step %scan3A_64  : i32 {
      %mul3A_67 = arith.constant 2 : i32
      %mul3A_68 = arith.muli %mul3A_67, %scan3A_66 : i32
      %add3A_69 = arith.constant 1 : i32
      %add3A_70 = arith.addi %mul3A_68, %add3A_69 : i32
      %shift_right_arithmetic3A_71 = arith.constant 1 : i32
      %shift_right_arithmetic3A_72 = arith.shrsi %add3A_70, %shift_right_arithmetic3A_71 : i32
      %and3A_73 = arith.constant 1 : i32
      %and3A_74 = arith.andi %add3A_70, %and3A_73 : i32
      %mul3A_75 = arith.constant 64 : i32
      %mul3A_76 = arith.muli %and3A_74, %mul3A_75 : i32
      %mul3A_77 = arith.constant 128 : i32
      %mul3A_78 = arith.muli %mul3A_76, %mul3A_77 : i32
      %add3A_79 = arith.constant 12 : i32
      %add3A_80 = arith.addi %shift_right_arithmetic3A_72, %add3A_79 : i32
      %mul3A_81 = arith.constant 2 : i32
      %mul3A_82 = arith.muli %mul3A_81, %add3A_80 : i32
      %add3A_83 = arith.addi %mul3A_78, %mul3A_82 : i32
      %add3A_84 = arith.constant 0 : i32
      %add3A_85 = arith.addi %add3A_83, %add3A_84 : i32
      %add3A_86 = vector.broadcast %add3A_85 : i32 to vector<16xi32>
      %add3A_87 = arith.addi %add3A_12, %add3A_86 : vector<16xi32>
      %gather3A_88 = tpu.vector_load_idx %arg5[%add3A_87] : memref<16384xi32, #tpu.memory_space<vmem>>[vector<16xi32>], vector<16xi32>,
      %swap3A_89 = arith.constant 0 : index
      %swap3A_90 = tpu.vector_load %arg7[%swap3A_89] {strides = array<i32>} : memref<128xi32, #tpu.memory_space<vmem>>, vector<16xi32>,
      tpu.vector_store %arg7[%swap3A_89], %gather3A_88 {strides = array<i32>} : memref<128xi32, #tpu.memory_space<vmem>>, vector<16xi32>,
      %add3A_91 = arith.constant 1024 : i32
      %add3A_92 = arith.addi %add3A_83, %add3A_91 : i32
      %add3A_93 = vector.broadcast %add3A_92 : i32 to vector<16xi32>
      %add3A_94 = arith.addi %add3A_12, %add3A_93 : vector<16xi32>
      %gather3A_95 = tpu.vector_load_idx %arg5[%add3A_94] : memref<16384xi32, #tpu.memory_space<vmem>>[vector<16xi32>], vector<16xi32>,
      %swap3A_96 = arith.constant 16 : index
      %swap3A_97 = tpu.vector_load %arg7[%swap3A_96] {strides = array<i32>} : memref<128xi32, #tpu.memory_space<vmem>>, vector<16xi32>,
      tpu.vector_store %arg7[%swap3A_96], %gather3A_95 {strides = array<i32>} : memref<128xi32, #tpu.memory_space<vmem>>, vector<16xi32>,
      %add3A_98 = arith.constant 2048 : i32
      %add3A_99 = arith.addi %add3A_83, %add3A_98 : i32
      %add3A_100 = vector.broadcast %add3A_99 : i32 to vector<16xi32>
      %add3A_101 = arith.addi %add3A_12, %add3A_100 : vector<16xi32>
      %gather3A_102 = tpu.vector_load_idx %arg5[%add3A_101] : memref<16384xi32, #tpu.memory_space<vmem>>[vector<16xi32>], vector<16xi32>,
      %swap3A_103 = arith.constant 32 : index
      %swap3A_104 = tpu.vector_load %arg7[%swap3A_103] {strides = array<i32>} : memref<128xi32, #tpu.memory_space<vmem>>, vector<16xi32>,
      tpu.vector_store %arg7[%swap3A_103], %gather3A_102 {strides = array<i32>} : memref<128xi32, #tpu.memory_space<vmem>>, vector<16xi32>,
      %add3A_105 = arith.constant 3072 : i32
      %add3A_106 = arith.addi %add3A_83, %add3A_105 : i32
      %add3A_107 = vector.broadcast %add3A_106 : i32 to vector<16xi32>
      %add3A_108 = arith.addi %add3A_12, %add3A_107 : vector<16xi32>
      %gather3A_109 = tpu.vector_load_idx %arg5[%add3A_108] : memref<16384xi32, #tpu.memory_space<vmem>>[vector<16xi32>], vector<16xi32>,
      %swap3A_110 = arith.constant 48 : index
      %swap3A_111 = tpu.vector_load %arg7[%swap3A_110] {strides = array<i32>} : memref<128xi32, #tpu.memory_space<vmem>>, vector<16xi32>,
      tpu.vector_store %arg7[%swap3A_110], %gather3A_109 {strides = array<i32>} : memref<128xi32, #tpu.memory_space<vmem>>, vector<16xi32>,
      %add3A_112 = arith.constant 4096 : i32
      %add3A_113 = arith.addi %add3A_83, %add3A_112 : i32
      %add3A_114 = vector.broadcast %add3A_113 : i32 to vector<16xi32>
      %add3A_115 = arith.addi %add3A_12, %add3A_114 : vector<16xi32>
      %gather3A_116 = tpu.vector_load_idx %arg5[%add3A_115] : memref<16384xi32, #tpu.memory_space<vmem>>[vector<16xi32>], vector<16xi32>,
      %swap3A_117 = arith.constant 64 : index
      %swap3A_118 = tpu.vector_load %arg7[%swap3A_117] {strides = array<i32>} : memref<128xi32, #tpu.memory_space<vmem>>, vector<16xi32>,
      tpu.vector_store %arg7[%swap3A_117], %gather3A_116 {strides = array<i32>} : memref<128xi32, #tpu.memory_space<vmem>>, vector<16xi32>,
      %add3A_119 = arith.constant 5120 : i32
      %add3A_120 = arith.addi %add3A_83, %add3A_119 : i32
      %add3A_121 = vector.broadcast %add3A_120 : i32 to vector<16xi32>
      %add3A_122 = arith.addi %add3A_12, %add3A_121 : vector<16xi32>
      %gather3A_123 = tpu.vector_load_idx %arg5[%add3A_122] : memref<16384xi32, #tpu.memory_space<vmem>>[vector<16xi32>], vector<16xi32>,
      %swap3A_124 = arith.constant 80 : index
      %swap3A_125 = tpu.vector_load %arg7[%swap3A_124] {strides = array<i32>} : memref<128xi32, #tpu.memory_space<vmem>>, vector<16xi32>,
      tpu.vector_store %arg7[%swap3A_124], %gather3A_123 {strides = array<i32>} : memref<128xi32, #tpu.memory_space<vmem>>, vector<16xi32>,
      %add3A_126 = arith.constant 6144 : i32
      %add3A_127 = arith.addi %add3A_83, %add3A_126 : i32
      %add3A_128 = vector.broadcast %add3A_127 : i32 to vector<16xi32>
      %add3A_129 = arith.addi %add3A_12, %add3A_128 : vector<16xi32>
      %gather3A_130 = tpu.vector_load_idx %arg5[%add3A_129] : memref<16384xi32, #tpu.memory_space<vmem>>[vector<16xi32>], vector<16xi32>,
      %swap3A_131 = arith.constant 96 : index
      %swap3A_132 = tpu.vector_load %arg7[%swap3A_131] {strides = array<i32>} : memref<128xi32, #tpu.memory_space<vmem>>, vector<16xi32>,
      tpu.vector_store %arg7[%swap3A_131], %gather3A_130 {strides = array<i32>} : memref<128xi32, #tpu.memory_space<vmem>>, vector<16xi32>,
      %add3A_133 = arith.constant 7168 : i32
      %add3A_134 = arith.addi %add3A_83, %add3A_133 : i32
      %add3A_135 = vector.broadcast %add3A_134 : i32 to vector<16xi32>
      %add3A_136 = arith.addi %add3A_12, %add3A_135 : vector<16xi32>
      %gather3A_137 = tpu.vector_load_idx %arg5[%add3A_136] : memref<16384xi32, #tpu.memory_space<vmem>>[vector<16xi32>], vector<16xi32>,
      %swap3A_138 = arith.constant 112 : index
      %swap3A_139 = tpu.vector_load %arg7[%swap3A_138] {strides = array<i32>} : memref<128xi32, #tpu.memory_space<vmem>>, vector<16xi32>,
      tpu.vector_store %arg7[%swap3A_138], %gather3A_137 {strides = array<i32>} : memref<128xi32, #tpu.memory_space<vmem>>, vector<16xi32>,
      %dma_start3A_140 = arith.constant 0 : i32
      %dma_start3A_141 = arith.constant 0 : i32
      %dma_start3A_142 = tpu.memref_slice %arg2[%dma_start3A_140, %dma_start3A_141] : memref<100000x64xf32, #tpu.memory_space<hbm>> -> memref<100000x64xf32, #tpu.memory_space<hbm>>
      tpu.enqueue_indirect_dma source(%dma_start3A_142 : memref<100000x64xf32, #tpu.memory_space<hbm>>) target(%arg9 : memref<128x64xf32, #tpu.memory_space<vmem>>) offsets(%arg7 : memref<128xi32, #tpu.memory_space<vmem>>) semaphore(%arg11 : memref<!tpu.dma_semaphore, #tpu.memory_space<semaphore_mem>>)
      %dma_wait3A = arith.constant 0 : i32
      %dma_wait3A_143 = arith.constant 0 : i32
      %dma_wait3A_144 = tpu.memref_slice %arg2[%dma_wait3A, %dma_wait3A_143] : memref<100000x64xf32, #tpu.memory_space<hbm>> -> memref<100000x64xf32, #tpu.memory_space<hbm>>
      tpu.wait_indirect_dma semaphore(%arg10 : memref<!tpu.dma_semaphore, #tpu.memory_space<semaphore_mem>>) src(%dma_wait3A_144 : memref<100000x64xf32, #tpu.memory_space<hbm>>) dst(%arg8 : memref<128x64xf32, #tpu.memory_space<vmem>>)
      %shift_right_arithmetic3A_145 = arith.constant 1 : i32
      %shift_right_arithmetic3A_146 = arith.shrsi %mul3A_68, %shift_right_arithmetic3A_145 : i32
      %and3A_147 = arith.constant 1 : i32
      %and3A_148 = arith.andi %mul3A_68, %and3A_147 : i32
      %mul3A_149 = arith.constant 8192 : i32
      %mul3A_150 = arith.muli %shift_right_arithmetic3A_146, %mul3A_149 : i32
      %mul3A_151 = arith.constant 256 : i32
      %mul3A_152 = arith.muli %add3A, %mul3A_151 : i32
      %add3A_153 = arith.addi %mul3A_150, %mul3A_152 : i32
      %mul3A_154 = arith.constant 128 : i32
      %mul3A_155 = arith.muli %and3A_148, %mul3A_154 : i32
      %add3A_156 = arith.addi %add3A_153, %mul3A_155 : i32
      "tpu.region"() ({
        %run_scoped3A = tpu.sem_alloc : memref<!tpu.dma_semaphore, #tpu.memory_space<semaphore_mem>>
        %dma_start3A_178 = arith.constant 0 : i32
        %dma_start3A_179 = tpu.memref_slice %arg4[%add3A_156, %dma_start3A_178] : memref<106496x64xf32, #tpu.memory_space<hbm>> -> memref<128x64xf32, #tpu.memory_space<hbm>>
        %dma_start3A_180 = arith.constant 0 : i32
        %dma_start3A_181 = tpu.memref_slice %arg4[%add3A_156, %dma_start3A_180] : memref<106496x64xf32, #tpu.memory_space<hbm>> -> memref<128x64xf32, #tpu.memory_space<hbm>>
        tpu.enqueue_dma source(%arg8 : memref<128x64xf32, #tpu.memory_space<vmem>>) target(%dma_start3A_181 : memref<128x64xf32, #tpu.memory_space<hbm>>) target_semaphore(%run_scoped3A : memref<!tpu.dma_semaphore, #tpu.memory_space<semaphore_mem>>)
        %dma_wait3A_182 = arith.constant 0 : i32
        %dma_wait3A_183 = tpu.memref_slice %arg4[%add3A_156, %dma_wait3A_182] : memref<106496x64xf32, #tpu.memory_space<hbm>> -> memref<128x64xf32, #tpu.memory_space<hbm>>
        %dma_wait3A_184 = arith.constant 0 : i32
        %dma_wait3A_185 = tpu.memref_slice %arg4[%add3A_156, %dma_wait3A_184] : memref<106496x64xf32, #tpu.memory_space<hbm>> -> memref<128x64xf32, #tpu.memory_space<hbm>>
        tpu.wait_dma2 semaphore(%run_scoped3A : memref<!tpu.dma_semaphore, #tpu.memory_space<semaphore_mem>>) src(%arg8 : memref<128x64xf32, #tpu.memory_space<vmem>>) dst(%dma_wait3A_185 : memref<128x64xf32, #tpu.memory_space<hbm>>)
        tpu.yield
      }) : () -> ()
      %add3A_157 = arith.constant 2 : i32
      %add3A_158 = arith.addi %mul3A_68, %add3A_157 : i32
      %lt3A = arith.constant 26 : i32
      %lt3A_159 = arith.cmpi slt, %add3A_158, %lt3A : i32
      %convert_element_type3A = arith.extui %lt3A_159 : i1 to i32
      %cond3A = arith.constant 0 : i32
      %cond3A_160 = arith.cmpi ne, %convert_element_type3A, %cond3A : i32
      scf.if %cond3A_160 {
        %add3A_178 = arith.constant 2 : i32
        %add3A_179 = arith.addi %mul3A_68, %add3A_178 : i32
        %shift_right_arithmetic3A_180 = arith.constant 1 : i32
        %shift_right_arithmetic3A_181 = arith.shrsi %add3A_179, %shift_right_arithmetic3A_180 : i32
        %and3A_182 = arith.constant 1 : i32
        %and3A_183 = arith.andi %add3A_179, %and3A_182 : i32
        %mul3A_184 = arith.constant 64 : i32
        %mul3A_185 = arith.muli %and3A_183, %mul3A_184 : i32
        %mul3A_186 = arith.constant 128 : i32
        %mul3A_187 = arith.muli %mul3A_185, %mul3A_186 : i32
        %add3A_188 = arith.constant 12 : i32
        %add3A_189 = arith.addi %shift_right_arithmetic3A_181, %add3A_188 : i32
        %mul3A_190 = arith.constant 2 : i32
        %mul3A_191 = arith.muli %mul3A_190, %add3A_189 : i32
        %add3A_192 = arith.addi %mul3A_187, %mul3A_191 : i32
        %add3A_193 = arith.constant 0 : i32
        %add3A_194 = arith.addi %add3A_192, %add3A_193 : i32
        %add3A_195 = vector.broadcast %add3A_194 : i32 to vector<16xi32>
        %add3A_196 = arith.addi %add3A_12, %add3A_195 : vector<16xi32>
        %gather3A_197 = tpu.vector_load_idx %arg5[%add3A_196] : memref<16384xi32, #tpu.memory_space<vmem>>[vector<16xi32>], vector<16xi32>,
        %swap3A_198 = arith.constant 0 : index
        %swap3A_199 = tpu.vector_load %arg6[%swap3A_198] {strides = array<i32>} : memref<128xi32, #tpu.memory_space<vmem>>, vector<16xi32>,
        tpu.vector_store %arg6[%swap3A_198], %gather3A_197 {strides = array<i32>} : memref<128xi32, #tpu.memory_space<vmem>>, vector<16xi32>,
        %add3A_200 = arith.constant 1024 : i32
        %add3A_201 = arith.addi %add3A_192, %add3A_200 : i32
        %add3A_202 = vector.broadcast %add3A_201 : i32 to vector<16xi32>
        %add3A_203 = arith.addi %add3A_12, %add3A_202 : vector<16xi32>
        %gather3A_204 = tpu.vector_load_idx %arg5[%add3A_203] : memref<16384xi32, #tpu.memory_space<vmem>>[vector<16xi32>], vector<16xi32>,
        %swap3A_205 = arith.constant 16 : index
        %swap3A_206 = tpu.vector_load %arg6[%swap3A_205] {strides = array<i32>} : memref<128xi32, #tpu.memory_space<vmem>>, vector<16xi32>,
        tpu.vector_store %arg6[%swap3A_205], %gather3A_204 {strides = array<i32>} : memref<128xi32, #tpu.memory_space<vmem>>, vector<16xi32>,
        %add3A_207 = arith.constant 2048 : i32
        %add3A_208 = arith.addi %add3A_192, %add3A_207 : i32
        %add3A_209 = vector.broadcast %add3A_208 : i32 to vector<16xi32>
        %add3A_210 = arith.addi %add3A_12, %add3A_209 : vector<16xi32>
        %gather3A_211 = tpu.vector_load_idx %arg5[%add3A_210] : memref<16384xi32, #tpu.memory_space<vmem>>[vector<16xi32>], vector<16xi32>,
        %swap3A_212 = arith.constant 32 : index
        %swap3A_213 = tpu.vector_load %arg6[%swap3A_212] {strides = array<i32>} : memref<128xi32, #tpu.memory_space<vmem>>, vector<16xi32>,
        tpu.vector_store %arg6[%swap3A_212], %gather3A_211 {strides = array<i32>} : memref<128xi32, #tpu.memory_space<vmem>>, vector<16xi32>,
        %add3A_214 = arith.constant 3072 : i32
        %add3A_215 = arith.addi %add3A_192, %add3A_214 : i32
        %add3A_216 = vector.broadcast %add3A_215 : i32 to vector<16xi32>
        %add3A_217 = arith.addi %add3A_12, %add3A_216 : vector<16xi32>
        %gather3A_218 = tpu.vector_load_idx %arg5[%add3A_217] : memref<16384xi32, #tpu.memory_space<vmem>>[vector<16xi32>], vector<16xi32>,
        %swap3A_219 = arith.constant 48 : index
        %swap3A_220 = tpu.vector_load %arg6[%swap3A_219] {strides = array<i32>} : memref<128xi32, #tpu.memory_space<vmem>>, vector<16xi32>,
        tpu.vector_store %arg6[%swap3A_219], %gather3A_218 {strides = array<i32>} : memref<128xi32, #tpu.memory_space<vmem>>, vector<16xi32>,
        %add3A_221 = arith.constant 4096 : i32
        %add3A_222 = arith.addi %add3A_192, %add3A_221 : i32
        %add3A_223 = vector.broadcast %add3A_222 : i32 to vector<16xi32>
        %add3A_224 = arith.addi %add3A_12, %add3A_223 : vector<16xi32>
        %gather3A_225 = tpu.vector_load_idx %arg5[%add3A_224] : memref<16384xi32, #tpu.memory_space<vmem>>[vector<16xi32>], vector<16xi32>,
        %swap3A_226 = arith.constant 64 : index
        %swap3A_227 = tpu.vector_load %arg6[%swap3A_226] {strides = array<i32>} : memref<128xi32, #tpu.memory_space<vmem>>, vector<16xi32>,
        tpu.vector_store %arg6[%swap3A_226], %gather3A_225 {strides = array<i32>} : memref<128xi32, #tpu.memory_space<vmem>>, vector<16xi32>,
        %add3A_228 = arith.constant 5120 : i32
        %add3A_229 = arith.addi %add3A_192, %add3A_228 : i32
        %add3A_230 = vector.broadcast %add3A_229 : i32 to vector<16xi32>
        %add3A_231 = arith.addi %add3A_12, %add3A_230 : vector<16xi32>
        %gather3A_232 = tpu.vector_load_idx %arg5[%add3A_231] : memref<16384xi32, #tpu.memory_space<vmem>>[vector<16xi32>], vector<16xi32>,
        %swap3A_233 = arith.constant 80 : index
        %swap3A_234 = tpu.vector_load %arg6[%swap3A_233] {strides = array<i32>} : memref<128xi32, #tpu.memory_space<vmem>>, vector<16xi32>,
        tpu.vector_store %arg6[%swap3A_233], %gather3A_232 {strides = array<i32>} : memref<128xi32, #tpu.memory_space<vmem>>, vector<16xi32>,
        %add3A_235 = arith.constant 6144 : i32
        %add3A_236 = arith.addi %add3A_192, %add3A_235 : i32
        %add3A_237 = vector.broadcast %add3A_236 : i32 to vector<16xi32>
        %add3A_238 = arith.addi %add3A_12, %add3A_237 : vector<16xi32>
        %gather3A_239 = tpu.vector_load_idx %arg5[%add3A_238] : memref<16384xi32, #tpu.memory_space<vmem>>[vector<16xi32>], vector<16xi32>,
        %swap3A_240 = arith.constant 96 : index
        %swap3A_241 = tpu.vector_load %arg6[%swap3A_240] {strides = array<i32>} : memref<128xi32, #tpu.memory_space<vmem>>, vector<16xi32>,
        tpu.vector_store %arg6[%swap3A_240], %gather3A_239 {strides = array<i32>} : memref<128xi32, #tpu.memory_space<vmem>>, vector<16xi32>,
        %add3A_242 = arith.constant 7168 : i32
        %add3A_243 = arith.addi %add3A_192, %add3A_242 : i32
        %add3A_244 = vector.broadcast %add3A_243 : i32 to vector<16xi32>
        %add3A_245 = arith.addi %add3A_12, %add3A_244 : vector<16xi32>
        %gather3A_246 = tpu.vector_load_idx %arg5[%add3A_245] : memref<16384xi32, #tpu.memory_space<vmem>>[vector<16xi32>], vector<16xi32>,
        %swap3A_247 = arith.constant 112 : index
        %swap3A_248 = tpu.vector_load %arg6[%swap3A_247] {strides = array<i32>} : memref<128xi32, #tpu.memory_space<vmem>>, vector<16xi32>,
        tpu.vector_store %arg6[%swap3A_247], %gather3A_246 {strides = array<i32>} : memref<128xi32, #tpu.memory_space<vmem>>, vector<16xi32>,
        %dma_start3A_249 = arith.constant 0 : i32
        %dma_start3A_250 = arith.constant 0 : i32
        %dma_start3A_251 = tpu.memref_slice %arg2[%dma_start3A_249, %dma_start3A_250] : memref<100000x64xf32, #tpu.memory_space<hbm>> -> memref<100000x64xf32, #tpu.memory_space<hbm>>
        tpu.enqueue_indirect_dma source(%dma_start3A_251 : memref<100000x64xf32, #tpu.memory_space<hbm>>) target(%arg8 : memref<128x64xf32, #tpu.memory_space<vmem>>) offsets(%arg6 : memref<128xi32, #tpu.memory_space<vmem>>) semaphore(%arg10 : memref<!tpu.dma_semaphore, #tpu.memory_space<semaphore_mem>>)
      } else {
      }
      %add3A_161 = arith.constant 1 : i32
      %add3A_162 = arith.addi %mul3A_68, %add3A_161 : i32
      %dma_wait3A_163 = arith.constant 0 : i32
      %dma_wait3A_164 = arith.constant 0 : i32
      %dma_wait3A_165 = tpu.memref_slice %arg2[%dma_wait3A_163, %dma_wait3A_164] : memref<100000x64xf32, #tpu.memory_space<hbm>> -> memref<100000x64xf32, #tpu.memory_space<hbm>>
      tpu.wait_indirect_dma semaphore(%arg11 : memref<!tpu.dma_semaphore, #tpu.memory_space<semaphore_mem>>) src(%dma_wait3A_165 : memref<100000x64xf32, #tpu.memory_space<hbm>>) dst(%arg9 : memref<128x64xf32, #tpu.memory_space<vmem>>)
      %shift_right_arithmetic3A_166 = arith.constant 1 : i32
      %shift_right_arithmetic3A_167 = arith.shrsi %add3A_162, %shift_right_arithmetic3A_166 : i32
      %and3A_168 = arith.constant 1 : i32
      %and3A_169 = arith.andi %add3A_162, %and3A_168 : i32
      %mul3A_170 = arith.constant 8192 : i32
      %mul3A_171 = arith.muli %shift_right_arithmetic3A_167, %mul3A_170 : i32
      %mul3A_172 = arith.constant 256 : i32
      %mul3A_173 = arith.muli %add3A, %mul3A_172 : i32
      %add3A_174 = arith.addi %mul3A_171, %mul3A_173 : i32
      %mul3A_175 = arith.constant 128 : i32
      %mul3A_176 = arith.muli %and3A_169, %mul3A_175 : i32
      %add3A_177 = arith.addi %add3A_174, %mul3A_176 : i32
      "tpu.region"() ({
        %run_scoped3A = tpu.sem_alloc : memref<!tpu.dma_semaphore, #tpu.memory_space<semaphore_mem>>
        %dma_start3A_178 = arith.constant 0 : i32
        %dma_start3A_179 = tpu.memref_slice %arg4[%add3A_177, %dma_start3A_178] : memref<106496x64xf32, #tpu.memory_space<hbm>> -> memref<128x64xf32, #tpu.memory_space<hbm>>
        %dma_start3A_180 = arith.constant 0 : i32
        %dma_start3A_181 = tpu.memref_slice %arg4[%add3A_177, %dma_start3A_180] : memref<106496x64xf32, #tpu.memory_space<hbm>> -> memref<128x64xf32, #tpu.memory_space<hbm>>
        tpu.enqueue_dma source(%arg9 : memref<128x64xf32, #tpu.memory_space<vmem>>) target(%dma_start3A_181 : memref<128x64xf32, #tpu.memory_space<hbm>>) target_semaphore(%run_scoped3A : memref<!tpu.dma_semaphore, #tpu.memory_space<semaphore_mem>>)
        %dma_wait3A_182 = arith.constant 0 : i32
        %dma_wait3A_183 = tpu.memref_slice %arg4[%add3A_177, %dma_wait3A_182] : memref<106496x64xf32, #tpu.memory_space<hbm>> -> memref<128x64xf32, #tpu.memory_space<hbm>>
        %dma_wait3A_184 = arith.constant 0 : i32
        %dma_wait3A_185 = tpu.memref_slice %arg4[%add3A_177, %dma_wait3A_184] : memref<106496x64xf32, #tpu.memory_space<hbm>> -> memref<128x64xf32, #tpu.memory_space<hbm>>
        tpu.wait_dma2 semaphore(%run_scoped3A : memref<!tpu.dma_semaphore, #tpu.memory_space<semaphore_mem>>) src(%arg9 : memref<128x64xf32, #tpu.memory_space<vmem>>) dst(%dma_wait3A_185 : memref<128x64xf32, #tpu.memory_space<hbm>>)
        tpu.yield
      }) : () -> ()
    }
    %scan3A_65 = arith.constant 13 : i32
    return
  }
}

#map = affine_map<(d0, d1) -> (0, 0)>
#map1 = affine_map<(d0, d1) -> (0)>
module attributes {stable_mosaic.version = 14 : i64} {
  func.func @_sc_gather(%arg0: i32, %arg1: i32, %arg2: memref<100000x64xf32, #tpu.memory_space<hbm>>, %arg3: memref<524288xi32, #tpu.memory_space<hbm>>, %arg4: memref<98304x64xf32, #tpu.memory_space<hbm>>, %arg5: memref<16384xi32, #tpu.memory_space<vmem>>, %arg6: memref<128xi32, #tpu.memory_space<vmem>>, %arg7: memref<128xi32, #tpu.memory_space<vmem>>, %arg8: memref<128x64xf32, #tpu.memory_space<vmem>>, %arg9: memref<128x64xf32, #tpu.memory_space<vmem>>, %arg10: memref<!tpu.dma_semaphore, #tpu.memory_space<semaphore_mem>>, %arg11: memref<!tpu.dma_semaphore, #tpu.memory_space<semaphore_mem>>) attributes {dimension_semantics = [#tpu.dimension_semantics<core_parallel>, #tpu.dimension_semantics<subcore_parallel>], iteration_bounds = array<i64: 2, 16>, scalar_prefetch = 0 : i64, scratch_operands = 7 : i64, tpu.core_type = #tpu.core_type<sc_vector_subcore>, window_params = [{transform_indices = #map}, {transform_indices = #map1}, {transform_indices = #map}]} {
    %mul3A = arith.constant 2 : i32
    %mul3A_0 = arith.muli %arg1, %mul3A : i32
    %add3A = arith.addi %mul3A_0, %arg0 : i32
    %mul3A_1 = arith.constant 128 : i32
    %mul3A_2 = arith.muli %add3A, %mul3A_1 : i32
    %mul3A_3 = arith.constant 128 : i32
    %mul3A_4 = arith.muli %mul3A_2, %mul3A_3 : i32
    "tpu.region"() ({
      %run_scoped3A = tpu.sem_alloc : memref<!tpu.dma_semaphore, #tpu.memory_space<semaphore_mem>>
      %dma_start3A_66 = tpu.memref_slice %arg3[%mul3A_4] : memref<524288xi32, #tpu.memory_space<hbm>> -> memref<16384xi32, #tpu.memory_space<hbm>>
      %dma_start3A_67 = tpu.memref_slice %arg3[%mul3A_4] : memref<524288xi32, #tpu.memory_space<hbm>> -> memref<16384xi32, #tpu.memory_space<hbm>>
      tpu.enqueue_dma source(%dma_start3A_67 : memref<16384xi32, #tpu.memory_space<hbm>>) target(%arg5 : memref<16384xi32, #tpu.memory_space<vmem>>) target_semaphore(%run_scoped3A : memref<!tpu.dma_semaphore, #tpu.memory_space<semaphore_mem>>)
      %dma_wait3A = tpu.memref_slice %arg3[%mul3A_4] : memref<524288xi32, #tpu.memory_space<hbm>> -> memref<16384xi32, #tpu.memory_space<hbm>>
      %dma_wait3A_68 = tpu.memref_slice %arg3[%mul3A_4] : memref<524288xi32, #tpu.memory_space<hbm>> -> memref<16384xi32, #tpu.memory_space<hbm>>
      tpu.wait_dma2 semaphore(%run_scoped3A : memref<!tpu.dma_semaphore, #tpu.memory_space<semaphore_mem>>) src(%dma_wait3A_68 : memref<16384xi32, #tpu.memory_space<hbm>>) dst(%arg5 : memref<16384xi32, #tpu.memory_space<vmem>>)
      tpu.yield
    }) : () -> ()
    %iota3A = tpu.iota {dimensions = array<i32: 0>} : vector<16xi32>
    %shift_right_arithmetic3A = arith.constant 1 : i32
    %shift_right_arithmetic3A_5 = vector.broadcast %shift_right_arithmetic3A : i32 to vector<16xi32>
    %shift_right_arithmetic3A_6 = arith.shrsi %iota3A, %shift_right_arithmetic3A_5 : vector<16xi32>
    %mul3A_7 = arith.constant 128 : i32
    %mul3A_8 = vector.broadcast %mul3A_7 : i32 to vector<16xi32>
    %mul3A_9 = arith.muli %shift_right_arithmetic3A_6, %mul3A_8 : vector<16xi32>
    %and3A = arith.constant 1 : i32
    %and3A_10 = vector.broadcast %and3A : i32 to vector<16xi32>
    %and3A_11 = arith.andi %iota3A, %and3A_10 : vector<16xi32>
    %add3A_12 = arith.addi %mul3A_9, %and3A_11 : vector<16xi32>
    %add3A_13 = arith.constant 0 : i32
    %add3A_14 = vector.broadcast %add3A_13 : i32 to vector<16xi32>
    %add3A_15 = arith.addi %add3A_12, %add3A_14 : vector<16xi32>
    %gather3A = tpu.vector_load_idx %arg5[%add3A_15] : memref<16384xi32, #tpu.memory_space<vmem>>[vector<16xi32>], vector<16xi32>,
    %swap3A = arith.constant 0 : index
    %swap3A_16 = tpu.vector_load %arg6[%swap3A] {strides = array<i32>} : memref<128xi32, #tpu.memory_space<vmem>>, vector<16xi32>,
    tpu.vector_store %arg6[%swap3A], %gather3A {strides = array<i32>} : memref<128xi32, #tpu.memory_space<vmem>>, vector<16xi32>,
    %add3A_17 = arith.constant 1024 : i32
    %add3A_18 = vector.broadcast %add3A_17 : i32 to vector<16xi32>
    %add3A_19 = arith.addi %add3A_12, %add3A_18 : vector<16xi32>
    %gather3A_20 = tpu.vector_load_idx %arg5[%add3A_19] : memref<16384xi32, #tpu.memory_space<vmem>>[vector<16xi32>], vector<16xi32>,
    %swap3A_21 = arith.constant 16 : index
    %swap3A_22 = tpu.vector_load %arg6[%swap3A_21] {strides = array<i32>} : memref<128xi32, #tpu.memory_space<vmem>>, vector<16xi32>,
    tpu.vector_store %arg6[%swap3A_21], %gather3A_20 {strides = array<i32>} : memref<128xi32, #tpu.memory_space<vmem>>, vector<16xi32>,
    %add3A_23 = arith.constant 2048 : i32
    %add3A_24 = vector.broadcast %add3A_23 : i32 to vector<16xi32>
    %add3A_25 = arith.addi %add3A_12, %add3A_24 : vector<16xi32>
    %gather3A_26 = tpu.vector_load_idx %arg5[%add3A_25] : memref<16384xi32, #tpu.memory_space<vmem>>[vector<16xi32>], vector<16xi32>,
    %swap3A_27 = arith.constant 32 : index
    %swap3A_28 = tpu.vector_load %arg6[%swap3A_27] {strides = array<i32>} : memref<128xi32, #tpu.memory_space<vmem>>, vector<16xi32>,
    tpu.vector_store %arg6[%swap3A_27], %gather3A_26 {strides = array<i32>} : memref<128xi32, #tpu.memory_space<vmem>>, vector<16xi32>,
    %add3A_29 = arith.constant 3072 : i32
    %add3A_30 = vector.broadcast %add3A_29 : i32 to vector<16xi32>
    %add3A_31 = arith.addi %add3A_12, %add3A_30 : vector<16xi32>
    %gather3A_32 = tpu.vector_load_idx %arg5[%add3A_31] : memref<16384xi32, #tpu.memory_space<vmem>>[vector<16xi32>], vector<16xi32>,
    %swap3A_33 = arith.constant 48 : index
    %swap3A_34 = tpu.vector_load %arg6[%swap3A_33] {strides = array<i32>} : memref<128xi32, #tpu.memory_space<vmem>>, vector<16xi32>,
    tpu.vector_store %arg6[%swap3A_33], %gather3A_32 {strides = array<i32>} : memref<128xi32, #tpu.memory_space<vmem>>, vector<16xi32>,
    %add3A_35 = arith.constant 4096 : i32
    %add3A_36 = vector.broadcast %add3A_35 : i32 to vector<16xi32>
    %add3A_37 = arith.addi %add3A_12, %add3A_36 : vector<16xi32>
    %gather3A_38 = tpu.vector_load_idx %arg5[%add3A_37] : memref<16384xi32, #tpu.memory_space<vmem>>[vector<16xi32>], vector<16xi32>,
    %swap3A_39 = arith.constant 64 : index
    %swap3A_40 = tpu.vector_load %arg6[%swap3A_39] {strides = array<i32>} : memref<128xi32, #tpu.memory_space<vmem>>, vector<16xi32>,
    tpu.vector_store %arg6[%swap3A_39], %gather3A_38 {strides = array<i32>} : memref<128xi32, #tpu.memory_space<vmem>>, vector<16xi32>,
    %add3A_41 = arith.constant 5120 : i32
    %add3A_42 = vector.broadcast %add3A_41 : i32 to vector<16xi32>
    %add3A_43 = arith.addi %add3A_12, %add3A_42 : vector<16xi32>
    %gather3A_44 = tpu.vector_load_idx %arg5[%add3A_43] : memref<16384xi32, #tpu.memory_space<vmem>>[vector<16xi32>], vector<16xi32>,
    %swap3A_45 = arith.constant 80 : index
    %swap3A_46 = tpu.vector_load %arg6[%swap3A_45] {strides = array<i32>} : memref<128xi32, #tpu.memory_space<vmem>>, vector<16xi32>,
    tpu.vector_store %arg6[%swap3A_45], %gather3A_44 {strides = array<i32>} : memref<128xi32, #tpu.memory_space<vmem>>, vector<16xi32>,
    %add3A_47 = arith.constant 6144 : i32
    %add3A_48 = vector.broadcast %add3A_47 : i32 to vector<16xi32>
    %add3A_49 = arith.addi %add3A_12, %add3A_48 : vector<16xi32>
    %gather3A_50 = tpu.vector_load_idx %arg5[%add3A_49] : memref<16384xi32, #tpu.memory_space<vmem>>[vector<16xi32>], vector<16xi32>,
    %swap3A_51 = arith.constant 96 : index
    %swap3A_52 = tpu.vector_load %arg6[%swap3A_51] {strides = array<i32>} : memref<128xi32, #tpu.memory_space<vmem>>, vector<16xi32>,
    tpu.vector_store %arg6[%swap3A_51], %gather3A_50 {strides = array<i32>} : memref<128xi32, #tpu.memory_space<vmem>>, vector<16xi32>,
    %add3A_53 = arith.constant 7168 : i32
    %add3A_54 = vector.broadcast %add3A_53 : i32 to vector<16xi32>
    %add3A_55 = arith.addi %add3A_12, %add3A_54 : vector<16xi32>
    %gather3A_56 = tpu.vector_load_idx %arg5[%add3A_55] : memref<16384xi32, #tpu.memory_space<vmem>>[vector<16xi32>], vector<16xi32>,
    %swap3A_57 = arith.constant 112 : index
    %swap3A_58 = tpu.vector_load %arg6[%swap3A_57] {strides = array<i32>} : memref<128xi32, #tpu.memory_space<vmem>>, vector<16xi32>,
    tpu.vector_store %arg6[%swap3A_57], %gather3A_56 {strides = array<i32>} : memref<128xi32, #tpu.memory_space<vmem>>, vector<16xi32>,
    %dma_start3A = arith.constant 0 : i32
    %dma_start3A_59 = arith.constant 0 : i32
    %dma_start3A_60 = tpu.memref_slice %arg2[%dma_start3A, %dma_start3A_59] : memref<100000x64xf32, #tpu.memory_space<hbm>> -> memref<100000x64xf32, #tpu.memory_space<hbm>>
    tpu.enqueue_indirect_dma source(%dma_start3A_60 : memref<100000x64xf32, #tpu.memory_space<hbm>>) target(%arg8 : memref<128x64xf32, #tpu.memory_space<vmem>>) offsets(%arg6 : memref<128xi32, #tpu.memory_space<vmem>>) semaphore(%arg10 : memref<!tpu.dma_semaphore, #tpu.memory_space<semaphore_mem>>)
    %scan3A = arith.constant 0 : i32
    %scan3A_61 = arith.constant 0 : i32
    %scan3A_62 = arith.constant 12 : i32
    %scan3A_63 = arith.addi %scan3A_61, %scan3A_62 : i32
    %scan3A_64 = arith.constant 1 : i32
    scf.for %scan3A_66 = %scan3A_61 to %scan3A_63 step %scan3A_64  : i32 {
      %mul3A_67 = arith.constant 2 : i32
      %mul3A_68 = arith.muli %mul3A_67, %scan3A_66 : i32
      %add3A_69 = arith.constant 1 : i32
      %add3A_70 = arith.addi %mul3A_68, %add3A_69 : i32
      %shift_right_arithmetic3A_71 = arith.constant 1 : i32
      %shift_right_arithmetic3A_72 = arith.shrsi %add3A_70, %shift_right_arithmetic3A_71 : i32
      %and3A_73 = arith.constant 1 : i32
      %and3A_74 = arith.andi %add3A_70, %and3A_73 : i32
      %mul3A_75 = arith.constant 64 : i32
      %mul3A_76 = arith.muli %and3A_74, %mul3A_75 : i32
      %mul3A_77 = arith.constant 128 : i32
      %mul3A_78 = arith.muli %mul3A_76, %mul3A_77 : i32
      %add3A_79 = arith.constant 0 : i32
      %add3A_80 = arith.addi %shift_right_arithmetic3A_72, %add3A_79 : i32
      %mul3A_81 = arith.constant 2 : i32
      %mul3A_82 = arith.muli %mul3A_81, %add3A_80 : i32
      %add3A_83 = arith.addi %mul3A_78, %mul3A_82 : i32
      %add3A_84 = arith.constant 0 : i32
      %add3A_85 = arith.addi %add3A_83, %add3A_84 : i32
      %add3A_86 = vector.broadcast %add3A_85 : i32 to vector<16xi32>
      %add3A_87 = arith.addi %add3A_12, %add3A_86 : vector<16xi32>
      %gather3A_88 = tpu.vector_load_idx %arg5[%add3A_87] : memref<16384xi32, #tpu.memory_space<vmem>>[vector<16xi32>], vector<16xi32>,
      %swap3A_89 = arith.constant 0 : index
      %swap3A_90 = tpu.vector_load %arg7[%swap3A_89] {strides = array<i32>} : memref<128xi32, #tpu.memory_space<vmem>>, vector<16xi32>,
      tpu.vector_store %arg7[%swap3A_89], %gather3A_88 {strides = array<i32>} : memref<128xi32, #tpu.memory_space<vmem>>, vector<16xi32>,
      %add3A_91 = arith.constant 1024 : i32
      %add3A_92 = arith.addi %add3A_83, %add3A_91 : i32
      %add3A_93 = vector.broadcast %add3A_92 : i32 to vector<16xi32>
      %add3A_94 = arith.addi %add3A_12, %add3A_93 : vector<16xi32>
      %gather3A_95 = tpu.vector_load_idx %arg5[%add3A_94] : memref<16384xi32, #tpu.memory_space<vmem>>[vector<16xi32>], vector<16xi32>,
      %swap3A_96 = arith.constant 16 : index
      %swap3A_97 = tpu.vector_load %arg7[%swap3A_96] {strides = array<i32>} : memref<128xi32, #tpu.memory_space<vmem>>, vector<16xi32>,
      tpu.vector_store %arg7[%swap3A_96], %gather3A_95 {strides = array<i32>} : memref<128xi32, #tpu.memory_space<vmem>>, vector<16xi32>,
      %add3A_98 = arith.constant 2048 : i32
      %add3A_99 = arith.addi %add3A_83, %add3A_98 : i32
      %add3A_100 = vector.broadcast %add3A_99 : i32 to vector<16xi32>
      %add3A_101 = arith.addi %add3A_12, %add3A_100 : vector<16xi32>
      %gather3A_102 = tpu.vector_load_idx %arg5[%add3A_101] : memref<16384xi32, #tpu.memory_space<vmem>>[vector<16xi32>], vector<16xi32>,
      %swap3A_103 = arith.constant 32 : index
      %swap3A_104 = tpu.vector_load %arg7[%swap3A_103] {strides = array<i32>} : memref<128xi32, #tpu.memory_space<vmem>>, vector<16xi32>,
      tpu.vector_store %arg7[%swap3A_103], %gather3A_102 {strides = array<i32>} : memref<128xi32, #tpu.memory_space<vmem>>, vector<16xi32>,
      %add3A_105 = arith.constant 3072 : i32
      %add3A_106 = arith.addi %add3A_83, %add3A_105 : i32
      %add3A_107 = vector.broadcast %add3A_106 : i32 to vector<16xi32>
      %add3A_108 = arith.addi %add3A_12, %add3A_107 : vector<16xi32>
      %gather3A_109 = tpu.vector_load_idx %arg5[%add3A_108] : memref<16384xi32, #tpu.memory_space<vmem>>[vector<16xi32>], vector<16xi32>,
      %swap3A_110 = arith.constant 48 : index
      %swap3A_111 = tpu.vector_load %arg7[%swap3A_110] {strides = array<i32>} : memref<128xi32, #tpu.memory_space<vmem>>, vector<16xi32>,
      tpu.vector_store %arg7[%swap3A_110], %gather3A_109 {strides = array<i32>} : memref<128xi32, #tpu.memory_space<vmem>>, vector<16xi32>,
      %add3A_112 = arith.constant 4096 : i32
      %add3A_113 = arith.addi %add3A_83, %add3A_112 : i32
      %add3A_114 = vector.broadcast %add3A_113 : i32 to vector<16xi32>
      %add3A_115 = arith.addi %add3A_12, %add3A_114 : vector<16xi32>
      %gather3A_116 = tpu.vector_load_idx %arg5[%add3A_115] : memref<16384xi32, #tpu.memory_space<vmem>>[vector<16xi32>], vector<16xi32>,
      %swap3A_117 = arith.constant 64 : index
      %swap3A_118 = tpu.vector_load %arg7[%swap3A_117] {strides = array<i32>} : memref<128xi32, #tpu.memory_space<vmem>>, vector<16xi32>,
      tpu.vector_store %arg7[%swap3A_117], %gather3A_116 {strides = array<i32>} : memref<128xi32, #tpu.memory_space<vmem>>, vector<16xi32>,
      %add3A_119 = arith.constant 5120 : i32
      %add3A_120 = arith.addi %add3A_83, %add3A_119 : i32
      %add3A_121 = vector.broadcast %add3A_120 : i32 to vector<16xi32>
      %add3A_122 = arith.addi %add3A_12, %add3A_121 : vector<16xi32>
      %gather3A_123 = tpu.vector_load_idx %arg5[%add3A_122] : memref<16384xi32, #tpu.memory_space<vmem>>[vector<16xi32>], vector<16xi32>,
      %swap3A_124 = arith.constant 80 : index
      %swap3A_125 = tpu.vector_load %arg7[%swap3A_124] {strides = array<i32>} : memref<128xi32, #tpu.memory_space<vmem>>, vector<16xi32>,
      tpu.vector_store %arg7[%swap3A_124], %gather3A_123 {strides = array<i32>} : memref<128xi32, #tpu.memory_space<vmem>>, vector<16xi32>,
      %add3A_126 = arith.constant 6144 : i32
      %add3A_127 = arith.addi %add3A_83, %add3A_126 : i32
      %add3A_128 = vector.broadcast %add3A_127 : i32 to vector<16xi32>
      %add3A_129 = arith.addi %add3A_12, %add3A_128 : vector<16xi32>
      %gather3A_130 = tpu.vector_load_idx %arg5[%add3A_129] : memref<16384xi32, #tpu.memory_space<vmem>>[vector<16xi32>], vector<16xi32>,
      %swap3A_131 = arith.constant 96 : index
      %swap3A_132 = tpu.vector_load %arg7[%swap3A_131] {strides = array<i32>} : memref<128xi32, #tpu.memory_space<vmem>>, vector<16xi32>,
      tpu.vector_store %arg7[%swap3A_131], %gather3A_130 {strides = array<i32>} : memref<128xi32, #tpu.memory_space<vmem>>, vector<16xi32>,
      %add3A_133 = arith.constant 7168 : i32
      %add3A_134 = arith.addi %add3A_83, %add3A_133 : i32
      %add3A_135 = vector.broadcast %add3A_134 : i32 to vector<16xi32>
      %add3A_136 = arith.addi %add3A_12, %add3A_135 : vector<16xi32>
      %gather3A_137 = tpu.vector_load_idx %arg5[%add3A_136] : memref<16384xi32, #tpu.memory_space<vmem>>[vector<16xi32>], vector<16xi32>,
      %swap3A_138 = arith.constant 112 : index
      %swap3A_139 = tpu.vector_load %arg7[%swap3A_138] {strides = array<i32>} : memref<128xi32, #tpu.memory_space<vmem>>, vector<16xi32>,
      tpu.vector_store %arg7[%swap3A_138], %gather3A_137 {strides = array<i32>} : memref<128xi32, #tpu.memory_space<vmem>>, vector<16xi32>,
      %dma_start3A_140 = arith.constant 0 : i32
      %dma_start3A_141 = arith.constant 0 : i32
      %dma_start3A_142 = tpu.memref_slice %arg2[%dma_start3A_140, %dma_start3A_141] : memref<100000x64xf32, #tpu.memory_space<hbm>> -> memref<100000x64xf32, #tpu.memory_space<hbm>>
      tpu.enqueue_indirect_dma source(%dma_start3A_142 : memref<100000x64xf32, #tpu.memory_space<hbm>>) target(%arg9 : memref<128x64xf32, #tpu.memory_space<vmem>>) offsets(%arg7 : memref<128xi32, #tpu.memory_space<vmem>>) semaphore(%arg11 : memref<!tpu.dma_semaphore, #tpu.memory_space<semaphore_mem>>)
      %dma_wait3A = arith.constant 0 : i32
      %dma_wait3A_143 = arith.constant 0 : i32
      %dma_wait3A_144 = tpu.memref_slice %arg2[%dma_wait3A, %dma_wait3A_143] : memref<100000x64xf32, #tpu.memory_space<hbm>> -> memref<100000x64xf32, #tpu.memory_space<hbm>>
      tpu.wait_indirect_dma semaphore(%arg10 : memref<!tpu.dma_semaphore, #tpu.memory_space<semaphore_mem>>) src(%dma_wait3A_144 : memref<100000x64xf32, #tpu.memory_space<hbm>>) dst(%arg8 : memref<128x64xf32, #tpu.memory_space<vmem>>)
      %shift_right_arithmetic3A_145 = arith.constant 1 : i32
      %shift_right_arithmetic3A_146 = arith.shrsi %mul3A_68, %shift_right_arithmetic3A_145 : i32
      %and3A_147 = arith.constant 1 : i32
      %and3A_148 = arith.andi %mul3A_68, %and3A_147 : i32
      %mul3A_149 = arith.constant 8192 : i32
      %mul3A_150 = arith.muli %shift_right_arithmetic3A_146, %mul3A_149 : i32
      %mul3A_151 = arith.constant 256 : i32
      %mul3A_152 = arith.muli %add3A, %mul3A_151 : i32
      %add3A_153 = arith.addi %mul3A_150, %mul3A_152 : i32
      %mul3A_154 = arith.constant 128 : i32
      %mul3A_155 = arith.muli %and3A_148, %mul3A_154 : i32
      %add3A_156 = arith.addi %add3A_153, %mul3A_155 : i32
      "tpu.region"() ({
        %run_scoped3A = tpu.sem_alloc : memref<!tpu.dma_semaphore, #tpu.memory_space<semaphore_mem>>
        %dma_start3A_178 = arith.constant 0 : i32
        %dma_start3A_179 = tpu.memref_slice %arg4[%add3A_156, %dma_start3A_178] : memref<98304x64xf32, #tpu.memory_space<hbm>> -> memref<128x64xf32, #tpu.memory_space<hbm>>
        %dma_start3A_180 = arith.constant 0 : i32
        %dma_start3A_181 = tpu.memref_slice %arg4[%add3A_156, %dma_start3A_180] : memref<98304x64xf32, #tpu.memory_space<hbm>> -> memref<128x64xf32, #tpu.memory_space<hbm>>
        tpu.enqueue_dma source(%arg8 : memref<128x64xf32, #tpu.memory_space<vmem>>) target(%dma_start3A_181 : memref<128x64xf32, #tpu.memory_space<hbm>>) target_semaphore(%run_scoped3A : memref<!tpu.dma_semaphore, #tpu.memory_space<semaphore_mem>>)
        %dma_wait3A_182 = arith.constant 0 : i32
        %dma_wait3A_183 = tpu.memref_slice %arg4[%add3A_156, %dma_wait3A_182] : memref<98304x64xf32, #tpu.memory_space<hbm>> -> memref<128x64xf32, #tpu.memory_space<hbm>>
        %dma_wait3A_184 = arith.constant 0 : i32
        %dma_wait3A_185 = tpu.memref_slice %arg4[%add3A_156, %dma_wait3A_184] : memref<98304x64xf32, #tpu.memory_space<hbm>> -> memref<128x64xf32, #tpu.memory_space<hbm>>
        tpu.wait_dma2 semaphore(%run_scoped3A : memref<!tpu.dma_semaphore, #tpu.memory_space<semaphore_mem>>) src(%arg8 : memref<128x64xf32, #tpu.memory_space<vmem>>) dst(%dma_wait3A_185 : memref<128x64xf32, #tpu.memory_space<hbm>>)
        tpu.yield
      }) : () -> ()
      %add3A_157 = arith.constant 2 : i32
      %add3A_158 = arith.addi %mul3A_68, %add3A_157 : i32
      %lt3A = arith.constant 24 : i32
      %lt3A_159 = arith.cmpi slt, %add3A_158, %lt3A : i32
      %convert_element_type3A = arith.extui %lt3A_159 : i1 to i32
      %cond3A = arith.constant 0 : i32
      %cond3A_160 = arith.cmpi ne, %convert_element_type3A, %cond3A : i32
      scf.if %cond3A_160 {
        %add3A_178 = arith.constant 2 : i32
        %add3A_179 = arith.addi %mul3A_68, %add3A_178 : i32
        %shift_right_arithmetic3A_180 = arith.constant 1 : i32
        %shift_right_arithmetic3A_181 = arith.shrsi %add3A_179, %shift_right_arithmetic3A_180 : i32
        %and3A_182 = arith.constant 1 : i32
        %and3A_183 = arith.andi %add3A_179, %and3A_182 : i32
        %mul3A_184 = arith.constant 64 : i32
        %mul3A_185 = arith.muli %and3A_183, %mul3A_184 : i32
        %mul3A_186 = arith.constant 128 : i32
        %mul3A_187 = arith.muli %mul3A_185, %mul3A_186 : i32
        %add3A_188 = arith.constant 0 : i32
        %add3A_189 = arith.addi %shift_right_arithmetic3A_181, %add3A_188 : i32
        %mul3A_190 = arith.constant 2 : i32
        %mul3A_191 = arith.muli %mul3A_190, %add3A_189 : i32
        %add3A_192 = arith.addi %mul3A_187, %mul3A_191 : i32
        %add3A_193 = arith.constant 0 : i32
        %add3A_194 = arith.addi %add3A_192, %add3A_193 : i32
        %add3A_195 = vector.broadcast %add3A_194 : i32 to vector<16xi32>
        %add3A_196 = arith.addi %add3A_12, %add3A_195 : vector<16xi32>
        %gather3A_197 = tpu.vector_load_idx %arg5[%add3A_196] : memref<16384xi32, #tpu.memory_space<vmem>>[vector<16xi32>], vector<16xi32>,
        %swap3A_198 = arith.constant 0 : index
        %swap3A_199 = tpu.vector_load %arg6[%swap3A_198] {strides = array<i32>} : memref<128xi32, #tpu.memory_space<vmem>>, vector<16xi32>,
        tpu.vector_store %arg6[%swap3A_198], %gather3A_197 {strides = array<i32>} : memref<128xi32, #tpu.memory_space<vmem>>, vector<16xi32>,
        %add3A_200 = arith.constant 1024 : i32
        %add3A_201 = arith.addi %add3A_192, %add3A_200 : i32
        %add3A_202 = vector.broadcast %add3A_201 : i32 to vector<16xi32>
        %add3A_203 = arith.addi %add3A_12, %add3A_202 : vector<16xi32>
        %gather3A_204 = tpu.vector_load_idx %arg5[%add3A_203] : memref<16384xi32, #tpu.memory_space<vmem>>[vector<16xi32>], vector<16xi32>,
        %swap3A_205 = arith.constant 16 : index
        %swap3A_206 = tpu.vector_load %arg6[%swap3A_205] {strides = array<i32>} : memref<128xi32, #tpu.memory_space<vmem>>, vector<16xi32>,
        tpu.vector_store %arg6[%swap3A_205], %gather3A_204 {strides = array<i32>} : memref<128xi32, #tpu.memory_space<vmem>>, vector<16xi32>,
        %add3A_207 = arith.constant 2048 : i32
        %add3A_208 = arith.addi %add3A_192, %add3A_207 : i32
        %add3A_209 = vector.broadcast %add3A_208 : i32 to vector<16xi32>
        %add3A_210 = arith.addi %add3A_12, %add3A_209 : vector<16xi32>
        %gather3A_211 = tpu.vector_load_idx %arg5[%add3A_210] : memref<16384xi32, #tpu.memory_space<vmem>>[vector<16xi32>], vector<16xi32>,
        %swap3A_212 = arith.constant 32 : index
        %swap3A_213 = tpu.vector_load %arg6[%swap3A_212] {strides = array<i32>} : memref<128xi32, #tpu.memory_space<vmem>>, vector<16xi32>,
        tpu.vector_store %arg6[%swap3A_212], %gather3A_211 {strides = array<i32>} : memref<128xi32, #tpu.memory_space<vmem>>, vector<16xi32>,
        %add3A_214 = arith.constant 3072 : i32
        %add3A_215 = arith.addi %add3A_192, %add3A_214 : i32
        %add3A_216 = vector.broadcast %add3A_215 : i32 to vector<16xi32>
        %add3A_217 = arith.addi %add3A_12, %add3A_216 : vector<16xi32>
        %gather3A_218 = tpu.vector_load_idx %arg5[%add3A_217] : memref<16384xi32, #tpu.memory_space<vmem>>[vector<16xi32>], vector<16xi32>,
        %swap3A_219 = arith.constant 48 : index
        %swap3A_220 = tpu.vector_load %arg6[%swap3A_219] {strides = array<i32>} : memref<128xi32, #tpu.memory_space<vmem>>, vector<16xi32>,
        tpu.vector_store %arg6[%swap3A_219], %gather3A_218 {strides = array<i32>} : memref<128xi32, #tpu.memory_space<vmem>>, vector<16xi32>,
        %add3A_221 = arith.constant 4096 : i32
        %add3A_222 = arith.addi %add3A_192, %add3A_221 : i32
        %add3A_223 = vector.broadcast %add3A_222 : i32 to vector<16xi32>
        %add3A_224 = arith.addi %add3A_12, %add3A_223 : vector<16xi32>
        %gather3A_225 = tpu.vector_load_idx %arg5[%add3A_224] : memref<16384xi32, #tpu.memory_space<vmem>>[vector<16xi32>], vector<16xi32>,
        %swap3A_226 = arith.constant 64 : index
        %swap3A_227 = tpu.vector_load %arg6[%swap3A_226] {strides = array<i32>} : memref<128xi32, #tpu.memory_space<vmem>>, vector<16xi32>,
        tpu.vector_store %arg6[%swap3A_226], %gather3A_225 {strides = array<i32>} : memref<128xi32, #tpu.memory_space<vmem>>, vector<16xi32>,
        %add3A_228 = arith.constant 5120 : i32
        %add3A_229 = arith.addi %add3A_192, %add3A_228 : i32
        %add3A_230 = vector.broadcast %add3A_229 : i32 to vector<16xi32>
        %add3A_231 = arith.addi %add3A_12, %add3A_230 : vector<16xi32>
        %gather3A_232 = tpu.vector_load_idx %arg5[%add3A_231] : memref<16384xi32, #tpu.memory_space<vmem>>[vector<16xi32>], vector<16xi32>,
        %swap3A_233 = arith.constant 80 : index
        %swap3A_234 = tpu.vector_load %arg6[%swap3A_233] {strides = array<i32>} : memref<128xi32, #tpu.memory_space<vmem>>, vector<16xi32>,
        tpu.vector_store %arg6[%swap3A_233], %gather3A_232 {strides = array<i32>} : memref<128xi32, #tpu.memory_space<vmem>>, vector<16xi32>,
        %add3A_235 = arith.constant 6144 : i32
        %add3A_236 = arith.addi %add3A_192, %add3A_235 : i32
        %add3A_237 = vector.broadcast %add3A_236 : i32 to vector<16xi32>
        %add3A_238 = arith.addi %add3A_12, %add3A_237 : vector<16xi32>
        %gather3A_239 = tpu.vector_load_idx %arg5[%add3A_238] : memref<16384xi32, #tpu.memory_space<vmem>>[vector<16xi32>], vector<16xi32>,
        %swap3A_240 = arith.constant 96 : index
        %swap3A_241 = tpu.vector_load %arg6[%swap3A_240] {strides = array<i32>} : memref<128xi32, #tpu.memory_space<vmem>>, vector<16xi32>,
        tpu.vector_store %arg6[%swap3A_240], %gather3A_239 {strides = array<i32>} : memref<128xi32, #tpu.memory_space<vmem>>, vector<16xi32>,
        %add3A_242 = arith.constant 7168 : i32
        %add3A_243 = arith.addi %add3A_192, %add3A_242 : i32
        %add3A_244 = vector.broadcast %add3A_243 : i32 to vector<16xi32>
        %add3A_245 = arith.addi %add3A_12, %add3A_244 : vector<16xi32>
        %gather3A_246 = tpu.vector_load_idx %arg5[%add3A_245] : memref<16384xi32, #tpu.memory_space<vmem>>[vector<16xi32>], vector<16xi32>,
        %swap3A_247 = arith.constant 112 : index
        %swap3A_248 = tpu.vector_load %arg6[%swap3A_247] {strides = array<i32>} : memref<128xi32, #tpu.memory_space<vmem>>, vector<16xi32>,
        tpu.vector_store %arg6[%swap3A_247], %gather3A_246 {strides = array<i32>} : memref<128xi32, #tpu.memory_space<vmem>>, vector<16xi32>,
        %dma_start3A_249 = arith.constant 0 : i32
        %dma_start3A_250 = arith.constant 0 : i32
        %dma_start3A_251 = tpu.memref_slice %arg2[%dma_start3A_249, %dma_start3A_250] : memref<100000x64xf32, #tpu.memory_space<hbm>> -> memref<100000x64xf32, #tpu.memory_space<hbm>>
        tpu.enqueue_indirect_dma source(%dma_start3A_251 : memref<100000x64xf32, #tpu.memory_space<hbm>>) target(%arg8 : memref<128x64xf32, #tpu.memory_space<vmem>>) offsets(%arg6 : memref<128xi32, #tpu.memory_space<vmem>>) semaphore(%arg10 : memref<!tpu.dma_semaphore, #tpu.memory_space<semaphore_mem>>)
      } else {
      }
      %add3A_161 = arith.constant 1 : i32
      %add3A_162 = arith.addi %mul3A_68, %add3A_161 : i32
      %dma_wait3A_163 = arith.constant 0 : i32
      %dma_wait3A_164 = arith.constant 0 : i32
      %dma_wait3A_165 = tpu.memref_slice %arg2[%dma_wait3A_163, %dma_wait3A_164] : memref<100000x64xf32, #tpu.memory_space<hbm>> -> memref<100000x64xf32, #tpu.memory_space<hbm>>
      tpu.wait_indirect_dma semaphore(%arg11 : memref<!tpu.dma_semaphore, #tpu.memory_space<semaphore_mem>>) src(%dma_wait3A_165 : memref<100000x64xf32, #tpu.memory_space<hbm>>) dst(%arg9 : memref<128x64xf32, #tpu.memory_space<vmem>>)
      %shift_right_arithmetic3A_166 = arith.constant 1 : i32
      %shift_right_arithmetic3A_167 = arith.shrsi %add3A_162, %shift_right_arithmetic3A_166 : i32
      %and3A_168 = arith.constant 1 : i32
      %and3A_169 = arith.andi %add3A_162, %and3A_168 : i32
      %mul3A_170 = arith.constant 8192 : i32
      %mul3A_171 = arith.muli %shift_right_arithmetic3A_167, %mul3A_170 : i32
      %mul3A_172 = arith.constant 256 : i32
      %mul3A_173 = arith.muli %add3A, %mul3A_172 : i32
      %add3A_174 = arith.addi %mul3A_171, %mul3A_173 : i32
      %mul3A_175 = arith.constant 128 : i32
      %mul3A_176 = arith.muli %and3A_169, %mul3A_175 : i32
      %add3A_177 = arith.addi %add3A_174, %mul3A_176 : i32
      "tpu.region"() ({
        %run_scoped3A = tpu.sem_alloc : memref<!tpu.dma_semaphore, #tpu.memory_space<semaphore_mem>>
        %dma_start3A_178 = arith.constant 0 : i32
        %dma_start3A_179 = tpu.memref_slice %arg4[%add3A_177, %dma_start3A_178] : memref<98304x64xf32, #tpu.memory_space<hbm>> -> memref<128x64xf32, #tpu.memory_space<hbm>>
        %dma_start3A_180 = arith.constant 0 : i32
        %dma_start3A_181 = tpu.memref_slice %arg4[%add3A_177, %dma_start3A_180] : memref<98304x64xf32, #tpu.memory_space<hbm>> -> memref<128x64xf32, #tpu.memory_space<hbm>>
        tpu.enqueue_dma source(%arg9 : memref<128x64xf32, #tpu.memory_space<vmem>>) target(%dma_start3A_181 : memref<128x64xf32, #tpu.memory_space<hbm>>) target_semaphore(%run_scoped3A : memref<!tpu.dma_semaphore, #tpu.memory_space<semaphore_mem>>)
        %dma_wait3A_182 = arith.constant 0 : i32
        %dma_wait3A_183 = tpu.memref_slice %arg4[%add3A_177, %dma_wait3A_182] : memref<98304x64xf32, #tpu.memory_space<hbm>> -> memref<128x64xf32, #tpu.memory_space<hbm>>
        %dma_wait3A_184 = arith.constant 0 : i32
        %dma_wait3A_185 = tpu.memref_slice %arg4[%add3A_177, %dma_wait3A_184] : memref<98304x64xf32, #tpu.memory_space<hbm>> -> memref<128x64xf32, #tpu.memory_space<hbm>>
        tpu.wait_dma2 semaphore(%run_scoped3A : memref<!tpu.dma_semaphore, #tpu.memory_space<semaphore_mem>>) src(%arg9 : memref<128x64xf32, #tpu.memory_space<vmem>>) dst(%dma_wait3A_185 : memref<128x64xf32, #tpu.memory_space<hbm>>)
        tpu.yield
      }) : () -> ()
    }
    %scan3A_65 = arith.constant 12 : i32
    return
  }
}

module attributes {stable_mosaic.version = 14 : i64} {
  func.func @_quad_body(%arg0: i32, %arg1: i32, %arg2: memref<2x4096x128xf32, #tpu.memory_space<vmem>>, %arg3: memref<512x256xf32, #tpu.memory_space<vmem>>, %arg4: memref<4x128x4096xf32, #tpu.memory_space<vmem>>) attributes {dimension_semantics = [#tpu.dimension_semantics<arbitrary>, #tpu.dimension_semantics<arbitrary>], iteration_bounds = array<i64: 6, 1>, scalar_prefetch = 0 : i64, scratch_operands = 0 : i64, tpu.core_type = #tpu.core_type<tc>, window_params = [{transform_indices = @transform_0, window_bounds = array<i64: 2, 4096, 128>}, {pipeline_mode = #tpu.pipeline_mode<synchronous>, transform_indices = @transform_1, window_bounds = array<i64: 512, 256>}, {transform_indices = @transform_2, window_bounds = array<i64: 4, 128, 4096>}]} {
    %get3A = arith.constant 0 : index
    %get3A_0 = arith.constant 0 : index
    %get3A_1 = arith.constant 0 : index
    %get3A_2 = vector.load %arg2[%get3A, %get3A_0, %get3A_1] : memref<2x4096x128xf32, #tpu.memory_space<vmem>>, vector<1x4096x128xf32>
    %get3A_3 = vector.shape_cast %get3A_2 : vector<1x4096x128xf32> to vector<4096x128xf32>
    %get3A_4 = arith.constant 1 : index
    %get3A_5 = arith.constant 0 : index
    %get3A_6 = arith.constant 0 : index
    %get3A_7 = vector.load %arg2[%get3A_4, %get3A_5, %get3A_6] : memref<2x4096x128xf32, #tpu.memory_space<vmem>>, vector<1x4096x128xf32>
    %get3A_8 = vector.shape_cast %get3A_7 : vector<1x4096x128xf32> to vector<4096x128xf32>
    %concatenate3A = tpu.concatenate %get3A_3, %get3A_8 in 1 : vector<4096x128xf32>, vector<4096x128xf32> -> vector<4096x256xf32>
    %get3A_9 = arith.constant 0 : index
    %get3A_10 = arith.constant 0 : index
    %get3A_11 = vector.load %arg3[%get3A_9, %get3A_10] : memref<512x256xf32, #tpu.memory_space<vmem>>, vector<512x256xf32>
    %dot_general3A = arith.constant dense<0.000000e+00> : vector<512x4096xf32>
    %dot_general3A_12 = tpu.matmul %get3A_11, %concatenate3A, %dot_general3A {dimension_numbers = #tpu.dot_dimension_numbers<[1], [1], [0], [0], [0, 0, 1, 0], [], []>, transpose_lhs_hint = false} : vector<512x256xf32>, vector<4096x256xf32>, vector<512x4096xf32> -> vector<512x4096xf32>
    %slice3A = vector.extract_strided_slice %dot_general3A_12 {offsets = [0, 0], sizes = [128, 4096], strides = [1, 1]} : vector<512x4096xf32> to vector<128x4096xf32>
    %swap3A = arith.constant 0 : index
    %swap3A_13 = arith.constant 0 : index
    %swap3A_14 = arith.constant 0 : index
    %swap3A_15 = vector.load %arg4[%swap3A, %swap3A_13, %swap3A_14] : memref<4x128x4096xf32, #tpu.memory_space<vmem>>, vector<1x128x4096xf32>
    %swap3A_16 = vector.shape_cast %swap3A_15 : vector<1x128x4096xf32> to vector<128x4096xf32>
    %swap3A_17 = vector.shape_cast %slice3A : vector<128x4096xf32> to vector<1x128x4096xf32>
    tpu.vector_store %arg4[%swap3A, %swap3A_13, %swap3A_14], %swap3A_17 {strides = array<i32>} : memref<4x128x4096xf32, #tpu.memory_space<vmem>>, vector<1x128x4096xf32>,
    %slice3A_18 = vector.extract_strided_slice %dot_general3A_12 {offsets = [128, 0], sizes = [128, 4096], strides = [1, 1]} : vector<512x4096xf32> to vector<128x4096xf32>
    %swap3A_19 = arith.constant 1 : index
    %swap3A_20 = arith.constant 0 : index
    %swap3A_21 = arith.constant 0 : index
    %swap3A_22 = vector.load %arg4[%swap3A_19, %swap3A_20, %swap3A_21] : memref<4x128x4096xf32, #tpu.memory_space<vmem>>, vector<1x128x4096xf32>
    %swap3A_23 = vector.shape_cast %swap3A_22 : vector<1x128x4096xf32> to vector<128x4096xf32>
    %swap3A_24 = vector.shape_cast %slice3A_18 : vector<128x4096xf32> to vector<1x128x4096xf32>
    tpu.vector_store %arg4[%swap3A_19, %swap3A_20, %swap3A_21], %swap3A_24 {strides = array<i32>} : memref<4x128x4096xf32, #tpu.memory_space<vmem>>, vector<1x128x4096xf32>,
    %slice3A_25 = vector.extract_strided_slice %dot_general3A_12 {offsets = [256, 0], sizes = [128, 4096], strides = [1, 1]} : vector<512x4096xf32> to vector<128x4096xf32>
    %swap3A_26 = arith.constant 2 : index
    %swap3A_27 = arith.constant 0 : index
    %swap3A_28 = arith.constant 0 : index
    %swap3A_29 = vector.load %arg4[%swap3A_26, %swap3A_27, %swap3A_28] : memref<4x128x4096xf32, #tpu.memory_space<vmem>>, vector<1x128x4096xf32>
    %swap3A_30 = vector.shape_cast %swap3A_29 : vector<1x128x4096xf32> to vector<128x4096xf32>
    %swap3A_31 = vector.shape_cast %slice3A_25 : vector<128x4096xf32> to vector<1x128x4096xf32>
    tpu.vector_store %arg4[%swap3A_26, %swap3A_27, %swap3A_28], %swap3A_31 {strides = array<i32>} : memref<4x128x4096xf32, #tpu.memory_space<vmem>>, vector<1x128x4096xf32>,
    %slice3A_32 = vector.extract_strided_slice %dot_general3A_12 {offsets = [384, 0], sizes = [128, 4096], strides = [1, 1]} : vector<512x4096xf32> to vector<128x4096xf32>
    %swap3A_33 = arith.constant 3 : index
    %swap3A_34 = arith.constant 0 : index
    %swap3A_35 = arith.constant 0 : index
    %swap3A_36 = vector.load %arg4[%swap3A_33, %swap3A_34, %swap3A_35] : memref<4x128x4096xf32, #tpu.memory_space<vmem>>, vector<1x128x4096xf32>
    %swap3A_37 = vector.shape_cast %swap3A_36 : vector<1x128x4096xf32> to vector<128x4096xf32>
    %swap3A_38 = vector.shape_cast %slice3A_32 : vector<128x4096xf32> to vector<1x128x4096xf32>
    tpu.vector_store %arg4[%swap3A_33, %swap3A_34, %swap3A_35], %swap3A_38 {strides = array<i32>} : memref<4x128x4096xf32, #tpu.memory_space<vmem>>, vector<1x128x4096xf32>,
    return
  }
  func.func @transform_0(%arg0: i32, %arg1: i32) -> (i32, i32, i32) {
    %c0_i32 = arith.constant 0 : i32
    %c0_i32_0 = arith.constant 0 : i32
    return %arg0, %arg1, %c0_i32 : i32, i32, i32
  }
  func.func @transform_1(%arg0: i32, %arg1: i32) -> (i32, i32) {
    %c0_i32 = arith.constant 0 : i32
    %c0_i32_0 = arith.constant 0 : i32
    %c0_i32_1 = arith.constant 0 : i32
    return %c0_i32, %c0_i32_0 : i32, i32
  }
  func.func @transform_2(%arg0: i32, %arg1: i32) -> (i32, i32, i32) {
    %c0_i32 = arith.constant 0 : i32
    %c0_i32_0 = arith.constant 0 : i32
    return %arg0, %c0_i32, %arg1 : i32, i32, i32
  }
}

module attributes {stable_mosaic.version = 14 : i64} {
  func.func @_pair_body(%arg0: i32, %arg1: memref<50x128x4096xf32, #tpu.memory_space<any>>, %arg2: memref<1x4096x128xf32, #tpu.memory_space<vmem>>, %arg3: memref<256x128xf32, #tpu.memory_space<vmem>>, %arg4: memref<2x128x4096xf32, #tpu.memory_space<vmem>>) attributes {dimension_semantics = [#tpu.dimension_semantics<arbitrary>], iteration_bounds = array<i64: 1>, scalar_prefetch = 0 : i64, scratch_operands = 0 : i64, tpu.core_type = #tpu.core_type<tc>, window_params = [{}, {transform_indices = @transform_1, window_bounds = array<i64: 1, 4096, 128>}, {pipeline_mode = #tpu.pipeline_mode<synchronous>, transform_indices = @transform_2, window_bounds = array<i64: 256, 128>}, {transform_indices = @transform_3, window_bounds = array<i64: 2, 128, 4096>}]} {
    %get3A = arith.constant 0 : index
    %get3A_0 = arith.constant 0 : index
    %get3A_1 = vector.load %arg3[%get3A, %get3A_0] : memref<256x128xf32, #tpu.memory_space<vmem>>, vector<256x128xf32>
    %get3A_2 = arith.constant 0 : index
    %get3A_3 = arith.constant 0 : index
    %get3A_4 = arith.constant 0 : index
    %get3A_5 = vector.load %arg2[%get3A_2, %get3A_3, %get3A_4] : memref<1x4096x128xf32, #tpu.memory_space<vmem>>, vector<1x4096x128xf32>
    %get3A_6 = vector.shape_cast %get3A_5 : vector<1x4096x128xf32> to vector<4096x128xf32>
    %dot_general3A = arith.constant dense<0.000000e+00> : vector<256x4096xf32>
    %dot_general3A_7 = tpu.matmul %get3A_1, %get3A_6, %dot_general3A {dimension_numbers = #tpu.dot_dimension_numbers<[1], [1], [0], [0], [0, 0, 1, 0], [], []>, transpose_lhs_hint = false} : vector<256x128xf32>, vector<4096x128xf32>, vector<256x4096xf32> -> vector<256x4096xf32>
    %slice3A = vector.extract_strided_slice %dot_general3A_7 {offsets = [0, 0], sizes = [128, 4096], strides = [1, 1]} : vector<256x4096xf32> to vector<128x4096xf32>
    %swap3A = arith.constant 0 : index
    %swap3A_8 = arith.constant 0 : index
    %swap3A_9 = arith.constant 0 : index
    %swap3A_10 = vector.load %arg4[%swap3A, %swap3A_8, %swap3A_9] : memref<2x128x4096xf32, #tpu.memory_space<vmem>>, vector<1x128x4096xf32>
    %swap3A_11 = vector.shape_cast %swap3A_10 : vector<1x128x4096xf32> to vector<128x4096xf32>
    %swap3A_12 = vector.shape_cast %slice3A : vector<128x4096xf32> to vector<1x128x4096xf32>
    tpu.vector_store %arg4[%swap3A, %swap3A_8, %swap3A_9], %swap3A_12 {strides = array<i32>} : memref<2x128x4096xf32, #tpu.memory_space<vmem>>, vector<1x128x4096xf32>,
    %slice3A_13 = vector.extract_strided_slice %dot_general3A_7 {offsets = [128, 0], sizes = [128, 4096], strides = [1, 1]} : vector<256x4096xf32> to vector<128x4096xf32>
    %swap3A_14 = arith.constant 1 : index
    %swap3A_15 = arith.constant 0 : index
    %swap3A_16 = arith.constant 0 : index
    %swap3A_17 = vector.load %arg4[%swap3A_14, %swap3A_15, %swap3A_16] : memref<2x128x4096xf32, #tpu.memory_space<vmem>>, vector<1x128x4096xf32>
    %swap3A_18 = vector.shape_cast %swap3A_17 : vector<1x128x4096xf32> to vector<128x4096xf32>
    %swap3A_19 = vector.shape_cast %slice3A_13 : vector<128x4096xf32> to vector<1x128x4096xf32>
    tpu.vector_store %arg4[%swap3A_14, %swap3A_15, %swap3A_16], %swap3A_19 {strides = array<i32>} : memref<2x128x4096xf32, #tpu.memory_space<vmem>>, vector<1x128x4096xf32>,
    return
  }
  func.func @transform_1(%arg0: i32) -> (i32, i32, i32) {
    %c12_i32 = arith.constant 12 : i32
    %c0_i32 = arith.constant 0 : i32
    %c0_i32_0 = arith.constant 0 : i32
    return %c12_i32, %arg0, %c0_i32 : i32, i32, i32
  }
  func.func @transform_2(%arg0: i32) -> (i32, i32) {
    %c0_i32 = arith.constant 0 : i32
    %c0_i32_0 = arith.constant 0 : i32
    %c0_i32_1 = arith.constant 0 : i32
    return %c0_i32, %c0_i32_0 : i32, i32
  }
  func.func @transform_3(%arg0: i32) -> (i32, i32, i32) {
    %c24_i32 = arith.constant 24 : i32
    %c0_i32 = arith.constant 0 : i32
    %c0_i32_0 = arith.constant 0 : i32
    return %c24_i32, %c0_i32, %arg0 : i32, i32, i32
  }
}

module attributes {stable_mosaic.version = 14 : i64} {
  func.func @_quad_body_aliased(%arg0: i32, %arg1: i32, %arg2: memref<50x128x4096xf32, #tpu.memory_space<any>>, %arg3: memref<2x4096x128xf32, #tpu.memory_space<vmem>>, %arg4: memref<512x256xf32, #tpu.memory_space<vmem>>, %arg5: memref<4x128x4096xf32, #tpu.memory_space<vmem>>) attributes {dimension_semantics = [#tpu.dimension_semantics<arbitrary>, #tpu.dimension_semantics<arbitrary>], iteration_bounds = array<i64: 6, 1>, scalar_prefetch = 0 : i64, scratch_operands = 0 : i64, tpu.core_type = #tpu.core_type<tc>, window_params = [{}, {transform_indices = @transform_1, window_bounds = array<i64: 2, 4096, 128>}, {pipeline_mode = #tpu.pipeline_mode<synchronous>, transform_indices = @transform_2, window_bounds = array<i64: 512, 256>}, {transform_indices = @transform_3, window_bounds = array<i64: 4, 128, 4096>}]} {
    %get3A = arith.constant 0 : index
    %get3A_0 = arith.constant 0 : index
    %get3A_1 = arith.constant 0 : index
    %get3A_2 = vector.load %arg3[%get3A, %get3A_0, %get3A_1] : memref<2x4096x128xf32, #tpu.memory_space<vmem>>, vector<1x4096x128xf32>
    %get3A_3 = vector.shape_cast %get3A_2 : vector<1x4096x128xf32> to vector<4096x128xf32>
    %get3A_4 = arith.constant 1 : index
    %get3A_5 = arith.constant 0 : index
    %get3A_6 = arith.constant 0 : index
    %get3A_7 = vector.load %arg3[%get3A_4, %get3A_5, %get3A_6] : memref<2x4096x128xf32, #tpu.memory_space<vmem>>, vector<1x4096x128xf32>
    %get3A_8 = vector.shape_cast %get3A_7 : vector<1x4096x128xf32> to vector<4096x128xf32>
    %concatenate3A = tpu.concatenate %get3A_3, %get3A_8 in 1 : vector<4096x128xf32>, vector<4096x128xf32> -> vector<4096x256xf32>
    %get3A_9 = arith.constant 0 : index
    %get3A_10 = arith.constant 0 : index
    %get3A_11 = vector.load %arg4[%get3A_9, %get3A_10] : memref<512x256xf32, #tpu.memory_space<vmem>>, vector<512x256xf32>
    %dot_general3A = arith.constant dense<0.000000e+00> : vector<512x4096xf32>
    %dot_general3A_12 = tpu.matmul %get3A_11, %concatenate3A, %dot_general3A {dimension_numbers = #tpu.dot_dimension_numbers<[1], [1], [0], [0], [0, 0, 1, 0], [], []>, transpose_lhs_hint = false} : vector<512x256xf32>, vector<4096x256xf32>, vector<512x4096xf32> -> vector<512x4096xf32>
    %slice3A = vector.extract_strided_slice %dot_general3A_12 {offsets = [0, 0], sizes = [128, 4096], strides = [1, 1]} : vector<512x4096xf32> to vector<128x4096xf32>
    %swap3A = arith.constant 0 : index
    %swap3A_13 = arith.constant 0 : index
    %swap3A_14 = arith.constant 0 : index
    %swap3A_15 = vector.load %arg5[%swap3A, %swap3A_13, %swap3A_14] : memref<4x128x4096xf32, #tpu.memory_space<vmem>>, vector<1x128x4096xf32>
    %swap3A_16 = vector.shape_cast %swap3A_15 : vector<1x128x4096xf32> to vector<128x4096xf32>
    %swap3A_17 = vector.shape_cast %slice3A : vector<128x4096xf32> to vector<1x128x4096xf32>
    tpu.vector_store %arg5[%swap3A, %swap3A_13, %swap3A_14], %swap3A_17 {strides = array<i32>} : memref<4x128x4096xf32, #tpu.memory_space<vmem>>, vector<1x128x4096xf32>,
    %slice3A_18 = vector.extract_strided_slice %dot_general3A_12 {offsets = [128, 0], sizes = [128, 4096], strides = [1, 1]} : vector<512x4096xf32> to vector<128x4096xf32>
    %swap3A_19 = arith.constant 1 : index
    %swap3A_20 = arith.constant 0 : index
    %swap3A_21 = arith.constant 0 : index
    %swap3A_22 = vector.load %arg5[%swap3A_19, %swap3A_20, %swap3A_21] : memref<4x128x4096xf32, #tpu.memory_space<vmem>>, vector<1x128x4096xf32>
    %swap3A_23 = vector.shape_cast %swap3A_22 : vector<1x128x4096xf32> to vector<128x4096xf32>
    %swap3A_24 = vector.shape_cast %slice3A_18 : vector<128x4096xf32> to vector<1x128x4096xf32>
    tpu.vector_store %arg5[%swap3A_19, %swap3A_20, %swap3A_21], %swap3A_24 {strides = array<i32>} : memref<4x128x4096xf32, #tpu.memory_space<vmem>>, vector<1x128x4096xf32>,
    %slice3A_25 = vector.extract_strided_slice %dot_general3A_12 {offsets = [256, 0], sizes = [128, 4096], strides = [1, 1]} : vector<512x4096xf32> to vector<128x4096xf32>
    %swap3A_26 = arith.constant 2 : index
    %swap3A_27 = arith.constant 0 : index
    %swap3A_28 = arith.constant 0 : index
    %swap3A_29 = vector.load %arg5[%swap3A_26, %swap3A_27, %swap3A_28] : memref<4x128x4096xf32, #tpu.memory_space<vmem>>, vector<1x128x4096xf32>
    %swap3A_30 = vector.shape_cast %swap3A_29 : vector<1x128x4096xf32> to vector<128x4096xf32>
    %swap3A_31 = vector.shape_cast %slice3A_25 : vector<128x4096xf32> to vector<1x128x4096xf32>
    tpu.vector_store %arg5[%swap3A_26, %swap3A_27, %swap3A_28], %swap3A_31 {strides = array<i32>} : memref<4x128x4096xf32, #tpu.memory_space<vmem>>, vector<1x128x4096xf32>,
    %slice3A_32 = vector.extract_strided_slice %dot_general3A_12 {offsets = [384, 0], sizes = [128, 4096], strides = [1, 1]} : vector<512x4096xf32> to vector<128x4096xf32>
    %swap3A_33 = arith.constant 3 : index
    %swap3A_34 = arith.constant 0 : index
    %swap3A_35 = arith.constant 0 : index
    %swap3A_36 = vector.load %arg5[%swap3A_33, %swap3A_34, %swap3A_35] : memref<4x128x4096xf32, #tpu.memory_space<vmem>>, vector<1x128x4096xf32>
    %swap3A_37 = vector.shape_cast %swap3A_36 : vector<1x128x4096xf32> to vector<128x4096xf32>
    %swap3A_38 = vector.shape_cast %slice3A_32 : vector<128x4096xf32> to vector<1x128x4096xf32>
    tpu.vector_store %arg5[%swap3A_33, %swap3A_34, %swap3A_35], %swap3A_38 {strides = array<i32>} : memref<4x128x4096xf32, #tpu.memory_space<vmem>>, vector<1x128x4096xf32>,
    return
  }
  func.func @transform_1(%arg0: i32, %arg1: i32) -> (i32, i32, i32) {
    %c0_i32 = arith.constant 0 : i32
    %c0_i32_0 = arith.constant 0 : i32
    return %arg0, %arg1, %c0_i32 : i32, i32, i32
  }
  func.func @transform_2(%arg0: i32, %arg1: i32) -> (i32, i32) {
    %c0_i32 = arith.constant 0 : i32
    %c0_i32_0 = arith.constant 0 : i32
    %c0_i32_1 = arith.constant 0 : i32
    return %c0_i32, %c0_i32_0 : i32, i32
  }
  func.func @transform_3(%arg0: i32, %arg1: i32) -> (i32, i32, i32) {
    %add3A = arith.constant 6 : i32
    %add3A_0 = arith.addi %arg0, %add3A : i32
    %c0_i32 = arith.constant 0 : i32
    %c0_i32_1 = arith.constant 0 : i32
    return %add3A_0, %c0_i32, %arg1 : i32, i32, i32
  }
}

</mosaic_0001>

<sc_bundles>
// kernel: kernel.10.cloned.1.call-start
scs
__scs_entry_jumppad:
0x0: {  	(pc) =	sbr.rel $0x88, $3  }
0x1: {  	(tag) =	ssettag $0x0;
	lr =	simm.s32 $0x1  }
0x2: {  	[smem:$0x3F9E] =	sst lr;
	_ =	strace $0xD0000000  }
0x3: {  	_ = 	snop  }
0x4: {  	_ = 	snop  }
0x5: {  	_ = 	snop  }
0x6: {  	_ = 	snop  }
0x7: {  	_ = 	snop  }
__scs_overlays_trampoline_lowered:
0x8: {  	[smem:$0x3FAD] =	sst s0  }
0x9: {  	[smem:$0x3FAE] =	sst s1  }
0xa: {  	[smem:$0x3FAF] =	sst s2  }
0xb: {  	[smem:$0x3FB0] =	sst s3  }
0xc: {  	[smem:$0x3FB1] =	sst s4  }
0xd: {  	[smem:$0x3FB2] =	sst s5  }
0xe: {  	[smem:$0x3FB3] =	sst s6  }
0xf: {  	[smem:$0x3FB4] =	sst s7  }
0x10: {  	[smem:$0x3FB5] =	sst s8  }
0x11: {  	[smem:$0x3FB6] =	sst s9;
	s0 =	simm.s32 @!p0 $0x0  }
0x12: {  	s1 =	sld [smem:$0x3F9C];
	s0 =	simm.s32 @p0 $0x1  }
0x13: {  	[smem:$0x3FB7] =	sst s0;
	s0 =	simm.s32 @!p1 $0x0  }
0x14: {  	s2 =	sld [smem:$0x3F9B];
	s0 =	simm.s32 @p1 $0x1  }
0x15: {  	[smem:$0x3FB8] =	sst s0;
	s0 =	simm.s32 @!p2 $0x0  }
0x16: {  	s3 =	sld [smem:$0x3FDB];
	s0 =	simm.s32 @p2 $0x1  }
0x17: {  	s4 =	simm.s32 $0x1BF5;
	[smem:$0x3FBA] =	sst s0  }
0x18: {  	s0 =	sld [smem:$0x3F9D];
	_ =	swait.ge [sflag:s4], $0x0  }
0x19: {  	s7 =	sld [smem:$0x3F9E]  }
0x1a: {  	s8 =	sadd.s32 $0xFFFFE003, lr  }
0x1b: {  	s9 =	sadd.s32 $0xFFFFFEF7, lr;
	s5 =	simm.s32 $0xFFFFFFFF;
	p2 =	slt.u32 s8, $0xFFFFF086  }
0x1c: {  	p1 =	slt.u32 s9, $0xF7A;
	s5 =	simm.s32 @!p2 $0x0  }
0x1d: {  	s5 =	simm.s32 @p1 $0x1;
	p0 =	seq.s32 s7, s2  }
0x1e: {  	s7 =	smul.u32 @!p0 $0xF7A, s2;
	p2 =	seq.s32 @!p0 s5, $0x0  }
0x1f: {  	s9 =	smul.u32 $0xF7A, s1;
	s8 =	simm.s32 @!p0 $0x1BF5;
	p2 =	por !p2, p0  }
0x20: {  	[sflag:s8] =	ssyncset.s32 @!p0 $0xFFFFF086;
	s6 =	sadd.s32 @!p0 s3, s7;
	s7 =	simm.s32 @!p0 $0x108  }
0x21: {  	s3 =	sadd.s32 s3, s9;
	s6 =	sadd.s32 @!p0 $0x88, s6;
	s7 =	simm.s32 @p2 $0x1082  }
0x22: {  	[simem:s7], [sflag:s8] =	dma.local @!p0 [hbm:s6], $0xF7A  }
0x23: {  	s9 =	sor.u32 $0xD0000000, s2;
	s6 =	simm.s32 $0x108;
	_ =	swait.ge @!p0 [sflag:s8], $0x0  }
0x24: {  	s3 =	sadd.s32 $0x88, s3;
	s6 =	simm.s32 @!p1 $0x1082;
	[sflag:s4] =	ssyncset.s32 $0xFFFFF086  }
0x25: {  	[simem:s6], [sflag:s4] =	dma.local [hbm:s3], $0xF7A  }
0x26: {  	[smem:$0x3F9E] =	sst s1;
	(tag) =	ssettag s2;
	_ =	strace s9  }
0x27: {  	s1 =	sld [smem:$0x3FAE]  }
0x28: {  	s2 =	sld [smem:$0x3FAF]  }
0x29: {  	s4 =	sld [smem:$0x3FB1]  }
0x2a: {  	p0 =	seq.s32 s5, $0x0;
	s5 =	sld [smem:$0x3FB2]  }
0x2b: {  	s6 =	sld [smem:$0x3FB3]  }
0x2c: {  	s7 =	sld [smem:$0x3FB4]  }
0x2d: {  	s3 =	simm.s32 $0x108;
	s8 =	sld [smem:$0x3FB5]  }
0x2e: {  	s3 =	simm.s32 @!p0 $0x1082;
	s9 =	sld [smem:$0x3FB6]  }
0x2f: {  	lr =	sadd.s32 s0, s3;
	s0 =	sld [smem:$0x3FAD]  }
0x30: {  	s3 =	sld [smem:$0x3FB0]  }
0x31: {  	[smem:$0x3FB9] =	sst s10  }
0x32: {  	s10 =	sld [smem:$0x3FB7];
	_ =	sdelay $0x3  }
0x33: {  	p0 =	seq.s32 s10, $0x1;
	s10 =	sld [smem:$0x3FB9];
	_ =	sdelay $0x3  }
0x34: {  	[smem:$0x3FB9] =	sst s10  }
0x35: {  	s10 =	sld [smem:$0x3FB8];
	_ =	sdelay $0x3  }
0x36: {  	p1 =	seq.s32 s10, $0x1;
	s10 =	sld [smem:$0x3FB9];
	_ =	sdelay $0x3  }
0x37: {  	[smem:$0x3FB9] =	sst s10  }
0x38: {  	s10 =	sld [smem:$0x3FBA]  }
0x39: {  	_ = 	snop;
	(pc) =	sbr.ind lr, $3  }
0x3a: {  	_ = 	snop  }
0x3b: {  	_ = 	snop  }
0x3c: {  	p2 =	seq.s32 s10, $0x1;
	s10 =	sld [smem:$0x3FB9]  }
0x3d: {  	_ =	shalt  }
0x3e: {  	_ =	shalt  }
0x3f: {  	_ =	shalt  }
0x40: {  	_ =	shalt  }
0x41: {  	_ =	shalt  }
0x42: {  	_ =	shalt  }
0x43: {  	_ =	shalt  }
0x44: {  	_ =	shalt  }
0x45: {  	_ =	shalt  }
0x46: {  	_ =	shalt  }
0x47: {  	_ =	shalt  }
0x48: {  	_ =	shalt  }
0x49: {  	_ =	shalt  }
0x4a: {  	_ =	shalt  }
0x4b: {  	_ =	shalt  }
0x4c: {  	_ =	shalt  }
0x4d: {  	_ =	shalt  }
0x4e: {  	_ =	shalt  }
0x4f: {  	_ =	shalt  }
0x50: {  	_ =	shalt  }
0x51: {  	_ =	shalt  }
0x52: {  	_ =	shalt  }
0x53: {  	_ =	shalt  }
0x54: {  	_ =	shalt  }
0x55: {  	_ =	shalt  }
0x56: {  	_ =	shalt  }
0x57: {  	_ =	shalt  }
0x58: {  	_ =	shalt  }
0x59: {  	_ =	shalt  }
0x5a: {  	_ =	shalt  }
0x5b: {  	_ =	shalt  }
0x5c: {  	_ =	shalt  }
0x5d: {  	_ =	shalt  }
0x5e: {  	_ =	shalt  }
0x5f: {  	_ =	shalt  }
0x60: {  	_ =	shalt  }
0x61: {  	_ =	shalt  }
0x62: {  	_ =	shalt  }
0x63: {  	_ =	shalt  }
0x64: {  	_ =	shalt  }
0x65: {  	_ =	shalt  }
0x66: {  	_ =	shalt  }
0x67: {  	_ =	shalt  }
0x68: {  	_ =	shalt  }
0x69: {  	_ =	shalt  }
0x6a: {  	_ =	shalt  }
0x6b: {  	_ =	shalt  }
0x6c: {  	_ =	shalt  }
0x6d: {  	_ =	shalt  }
0x6e: {  	_ =	shalt  }
0x6f: {  	_ =	shalt  }
0x70: {  	_ =	shalt  }
0x71: {  	_ =	shalt  }
0x72: {  	_ =	shalt  }
0x73: {  	_ =	shalt  }
0x74: {  	_ =	shalt  }
0x75: {  	_ =	shalt  }
0x76: {  	_ =	shalt  }
0x77: {  	_ =	shalt  }
0x78: {  	_ =	shalt  }
0x79: {  	_ =	shalt  }
0x7a: {  	_ =	shalt  }
0x7b: {  	_ =	shalt  }
0x7c: {  	_ =	shalt  }
0x7d: {  	_ =	shalt  }
0x7e: {  	_ =	shalt  }
0x7f: {  	_ =	shalt  }
0x80: {  	_ =	shalt  }
0x81: {  	_ =	shalt  }
0x82: {  	_ =	shalt  }
0x83: {  	_ =	shalt  }
0x84: {  	_ =	shalt  }
0x85: {  	_ =	shalt  }
0x86: {  	_ =	shalt  }
0x87: {  	_ =	shalt  }
.Lfunc_end0:
.L_simem_size_0:
called_computation.1_lowered:
.L_overlay_start_0:
0x88: {  	s2 =	sld [smem:$0x3FD9]  }
0x89: {  	s3 =	sld [smem:$0x3FFE];
	_ =	sdelay $0x1  }
0x8a: {  	s1 =	srdreg.scid  }
0x8b: {  	s0 =	sand.u32 $0x1, s1  }
0x8c: {  	s17 =	sshll.u32 s0, $0xA;
	s2 =	sadd.s32 s3, s2  }
0x8d: {  	s2 =	sadd.s32 s2, s17  }
0x8e: {  	[smem:$0x3FC5] =	sst s2  }
0x8f: {  	_ = 	snop  }
0x90: {  	(tm) =	ssettm $0x1  }
0x91: {  	s18 =	sld [smem:$0x3FFB];
	_ =	sdelay $0x3  }
0x92: {  	_ =	strace s18  }
0x93: {  	s2 =	sld [smem:$0x3FFC];
	_ =	sdelay $0x3  }
0x94: {  	_ =	strace s2  }
0x95: {  	s2 =	sld [smem:$0x3FFD];
	_ =	sdelay $0x3  }
0x96: {  	_ =	strace s2  }
0x97: {  	_ =	strace $0x8FFFFFFF  }
0x98: {  	s19 =	sld [smem:$0x3FDB];
	_ =	sdelay $0x1  }
0x99: {  	s20 =	simm.s32 $_scs_section_size  }
0x9a: {  	s4 =	simm.s32 $_size__tile_overlayer_lowered;
	s5 =	simm.s32 $_tile_overlayer_lowered  }
0x9b: {  	s6 =	simm.s32 $0x1BFF;
	s21 =	sshll.u32 s5, $0x1;
	s3 =	sadd.s32 s20, s19  }
0x9c: {  	s22 =	simm.s32 $0x0;
	s4 =	sshll.u32 s4, $0x1;
	s5 =	sadd.s32 s21, s3  }
0x9d: {  	[timem:s22], [sflag:s6] =	dma.local [hbm:s5], s4  }
0x9e: {  	_ =	swait.ge [sflag:s6], s4  }
0x9f: {  	s4 =	ssub.s32 $0x0, s4;
	[sflag:s6] =	ssyncset.done $0x0  }
0xa0: {  	[sflag:s6] =	ssyncadd.s32 s4;
	_ =	sdelay $0x1  }
0xa1: {  	s23 =	simm.s32 $0x1B8B  }
0xa2: {  	_ =	swait.ge [sflag:s23], $0x1  }
0xa3: {  	[sflag:s23] =	ssyncset.done $0x0  }
0xa4: {  	[sflag:s23] =	ssyncadd.s32 $0xFFFFFFFF  }
0xa5: {  	s4 =	sld [smem:$0x0]  }
0xa6: {  	s5 =	sand.u32 $0xFFFFFFFE, s1  }
0xa7: {  	p0 =	sne.s32 s1, s5  }
0xa8: {  	s5 =	sshll.u32 @p0 s5, $0xE  }
0xa9: {  	s5 =	sadd.s32 @p0 $0x11B8D, s5;
	s6 =	sshll.u32 @p0 s4, $0x11  }
0xaa: {  	s5 =	sor.u32 @p0 s6, s5  }
0xab: {  	[sflag:s5] =	ssyncadd.remote.s32 @p0 $0x1;
	_ =	sdelay $0x1  }
0xac: {  	s5 =	simm.s32 @p0 $0x1B8D  }
0xad: {  	_ =	swait.eq @p0 [sflag:s5], $0x1  }
0xae: {  	[sflag:s5] =	ssyncadd.s32 @p0 $0xFFFFFFFF  }
0xaf: {  	s6 =	sshll.u32 @!p0 s1, $0xE  }
0xb0: {  	s6 =	sor.u32 @!p0 $0x4000, s6;
	s5 =	simm.s32 @!p0 $0x1B8D  }
0xb1: {  	s4 =	sshll.u32 @!p0 s4, $0x11;
	s6 =	sadd.s32 @!p0 $0x11B8D, s6;
	_ =	swait.eq @!p0 [sflag:s5], $0x1  }
0xb2: {  	s4 =	sor.u32 @!p0 s4, s6;
	[sflag:s5] =	ssyncadd.s32 @!p0 $0xFFFFFFFF  }
0xb3: {  	s25 =	simm.s32 $0x1B8E;
	s24 =	sld [smem:$0x3FFE];
	[sflag:s4] =	ssyncadd.remote.s32 @!p0 $0x1  }
0xb4: {  	s26 =	simm.s32 $execute0_lowered;
	[smem:$0x3FD2] =	sst s25  }
0xb5: {  	s5 =	sshll.u32 s26, $0x1;
	_ =	strace $0x80000049;
	[dreg:$0x1] =	wrdreg $0xFFFFFFFF  }
0xb6: {  	s28 =	simm.s32 $_size_execute0_lowered;
	s3 =	sadd.s32 s3, s5;
	[dreg:$0x0] =	wrdreg $0x0  }
0xb7: {  	s5 =	sshll.u32 s28, $0x1;
	[dreg:$0x2] =	wrdreg s3  }
0xb8: {  	[dreg:$0x3] =	wrdreg s5  }
0xb9: {  	[dreg:$0x4] =	wrdreg $0xC0  }
0xba: {  	_ =	task [dreg:s22], $0x5FFFF  }
0xbb: {  	[dreg:$0x1] =	wrdreg $0xFFFFFFFF  }
0xbc: {  	[dreg:$0x0] =	wrdreg $0x60  }
0xbd: {  	[dreg:$0x2] =	wrdreg s24  }
0xbe: {  	[dreg:$0x3] =	wrdreg $0xA  }
0xbf: {  	_ =	task.clear_ibuf [dreg:s22], $0x4FFFF;
	_ =	strace $0x90000049  }
0xc0: {  	s29 =	simm.s32 $0xA;
	_ =	strace $0x8000004B  }
0xc1: {  	_ =	swait.ge [sflag:s29], $0x1  }
0xc2: {  	[sflag:s29] =	ssyncadd.s32 $0xFFFFFFFF  }
0xc3: {  	_ =	strace $0x9000004B  }
0xc4: {  	_ =	sfence  }
0xc5: {  	s30 =	sld [smem:$0x0];
	_ =	sdelay $0x2  }
0xc6: {  	s31 =	sshll.u32 s1, $0xD;
	s1 =	sshrl.u32 s1, $0x2  }
0xc7: {  	s4 =	sand.u32 $0x4000, s31;
	s1 =	sadd.s32 s1, s30  }
0xc8: {  	s0 =	sor.u32 s4, s0;
	s1 =	sshll.u32 s1, $0x11  }
0xc9: {  	s0 =	sor.u32 s1, s0  }
0xca: {  	s0 =	sadd.s32 $0x8F2B, s0  }
0xcb: {  	[sflag:s0] =	ssyncadd.remote.s32 $0x1  }
0xcc: {  	_ =	sfence.sel $0xFFFF  }
0xcd: {  	[dreg:$0x0] =	wrdreg $0xFFFFFFFF;
	(pc) =	sbr.abs _section_cstart, $3  }
0xce: {  	[dreg:$0x1] =	wrdreg $0xFFFFFFFF  }
0xcf: {  	_ =	task.clear_ibuf [dreg:s22], $0x2FFFF;
	_ =	strace $0x9FFFFFFF  }
0xd0: {  	(tm) =	ssettm $0x7FFFFFFF  }
0xd1: {  	_ =	shalt  }
tec
execute0_lowered:
.L_overlay_start_1:
0x0: {  	(tag) =	ssettag $0x1  }
0x1: {  	v0 =	vimm.s32 $0x99981918;
	vm11 =	vcmask $0xF00  }
0x2: {  	vm10 =	vcmask $0x1310;
	vm9 =	vcmask $0x1714;
	vm8 =	vcmask $0x1B18  }
0x3: {  	vm2 =	vcmask $0x1F1C;
	vm1 =	vcmask $0x2320;
	v1 =	vimm.s32 $0x799  }
0x4: {  	vm15 =	vcmask $0x300;
	vm0 =	vcmask $0x2724;
	vm13 =	vcmask $0x704  }
0x5: {  	vm14 =	vcmask $0xB08;
	v2 =	vimm.s32 $0xB99;
	vm12 =	vcmask $0xF0C  }
0x6: {  	vm3 =	vcmask $0x2B28;
	vm4 =	vcmask $0x2F2C;
	vm5 =	vcmask $0x3330  }
0x7: {  	vm6 =	vcmask $0x3734;
	vm7 =	vcmask $0x3B38;
	v3 =	vimm.s32 $0xF99  }
0x8: {  	v4 =	vimm.s32 $0x1399;
	v5 =	vimm.s32 $0x1799;
	v6 =	vimm.s32 $0x1B99  }
0x9: {  	v7 =	vimm.s32 $0x1F99;
	v8 =	vimm.s32 $0x81800100;
	v0 =	vunpack.c.0.s8.s32 v0  }
0xa: {  	v1 =	vsel vm15, $0x418, v1;
	v2 =	vsel vm15, $0x818, v2;
	v3 =	vsel vm15, $0xC18, v3  }
0xb: {  	v4 =	vsel vm15, $0x1018, v4;
	v5 =	vsel vm15, $0x1418, v5;
	v6 =	vsel vm15, $0x1818, v6  }
0xc: {  	v7 =	vsel vm15, $0x1C18, v7;
	v8 =	vunpack.c.0.s8.s32 v8;
	v1 =	vsel vm13, $0x419, v1  }
0xd: {  	v2 =	vsel vm13, $0x819, v2;
	v3 =	vsel vm13, $0xC19, v3;
	v4 =	vsel vm13, $0x1019, v4  }
0xe: {  	v5 =	vsel vm13, $0x1419, v5;
	v6 =	vsel vm13, $0x1819, v6;
	v7 =	vsel vm13, $0x1C19, v7  }
0xf: {  	v0 =	vand.u32 $0xFF, v0;
	v1 =	vsel vm14, $0x498, v1;
	v2 =	vsel vm14, $0x898, v2  }
0x10: {  	v3 =	vsel vm14, $0xC98, v3;
	v4 =	vsel vm14, $0x1098, v4;
	v5 =	vsel vm14, $0x1498, v5  }
0x11: {  	v6 =	vsel vm14, $0x1898, v6;
	v7 =	vsel vm14, $0x1C98, v7;
	v8 =	vand.u32 $0xFF, v8  }
0x12: {  	v0 =	vnsel vm11, $0x399, v0;
	v1 =	vsel vm12, $0x499, v1;
	v2 =	vsel vm12, $0x899, v2  }
0x13: {  	v3 =	vsel vm12, $0xC99, v3;
	v4 =	vsel vm12, $0x1099, v4;
	v5 =	vsel vm12, $0x1499, v5  }
0x14: {  	v6 =	vsel vm12, $0x1899, v6;
	v7 =	vsel vm12, $0x1C99, v7;
	v8 =	vnsel vm11, $0x381, v8  }
0x15: {  	v0 =	vsel vm10, $0x118, v0;
	v1 =	vsel vm10, $0x518, v1;
	v2 =	vsel vm10, $0x918, v2  }
0x16: {  	v3 =	vsel vm10, $0xD18, v3;
	v4 =	vsel vm10, $0x1118, v4;
	v5 =	vsel vm10, $0x1518, v5  }
0x17: {  	v6 =	vsel vm10, $0x1918, v6;
	v7 =	vsel vm10, $0x1D18, v7;
	v8 =	vsel vm10, $0x100, v8  }
0x18: {  	v0 =	vsel vm9, $0x119, v0;
	v1 =	vsel vm9, $0x519, v1;
	v2 =	vsel vm9, $0x919, v2  }
0x19: {  	v3 =	vsel vm9, $0xD19, v3;
	v4 =	vsel vm9, $0x1119, v4;
	v5 =	vsel vm9, $0x1519, v5  }
0x1a: {  	v6 =	vsel vm9, $0x1919, v6;
	v7 =	vsel vm9, $0x1D19, v7;
	v8 =	vsel vm9, $0x101, v8  }
0x1b: {  	v0 =	vsel vm8, $0x198, v0;
	v1 =	vsel vm8, $0x598, v1;
	v2 =	vsel vm8, $0x998, v2  }
0x1c: {  	v3 =	vsel vm8, $0xD98, v3;
	v4 =	vsel vm8, $0x1198, v4;
	v5 =	vsel vm8, $0x1598, v5  }
0x1d: {  	v6 =	vsel vm8, $0x1998, v6;
	v7 =	vsel vm8, $0x1D98, v7;
	v8 =	vsel vm8, $0x180, v8  }
0x1e: {  	v0 =	vsel vm2, $0x199, v0;
	v1 =	vsel vm2, $0x599, v1;
	v2 =	vsel vm2, $0x999, v2  }
0x1f: {  	v3 =	vsel vm2, $0xD99, v3;
	v4 =	vsel vm2, $0x1199, v4;
	v5 =	vsel vm2, $0x1599, v5  }
0x20: {  	v6 =	vsel vm2, $0x1999, v6;
	v7 =	vsel vm2, $0x1D99, v7;
	v8 =	vsel vm2, $0x181, v8  }
0x21: {  	v0 =	vsel vm1, $0x218, v0;
	v1 =	vsel vm1, $0x618, v1;
	v2 =	vsel vm1, $0xA18, v2  }
0x22: {  	v3 =	vsel vm1, $0xE18, v3;
	v4 =	vsel vm1, $0x1218, v4;
	v5 =	vsel vm1, $0x1618, v5  }
0x23: {  	v6 =	vsel vm1, $0x1A18, v6;
	v7 =	vsel vm1, $0x1E18, v7;
	v8 =	vsel vm1, $0x200, v8  }
0x24: {  	v0 =	vsel vm0, $0x219, v0;
	v1 =	vsel vm0, $0x619, v1;
	v2 =	vsel vm0, $0xA19, v2  }
0x25: {  	v3 =	vsel vm0, $0xE19, v3;
	v4 =	vsel vm0, $0x1219, v4;
	v5 =	vsel vm0, $0x1619, v5  }
0x26: {  	v6 =	vsel vm0, $0x1A19, v6;
	v7 =	vsel vm0, $0x1E19, v7;
	v8 =	vsel vm0, $0x201, v8  }
0x27: {  	v0 =	vsel vm3, $0x298, v0;
	v1 =	vsel vm3, $0x698, v1;
	v2 =	vsel vm3, $0xA98, v2  }
0x28: {  	v3 =	vsel vm3, $0xE98, v3;
	v4 =	vsel vm3, $0x1298, v4;
	v5 =	vsel vm3, $0x1698, v5  }
0x29: {  	v6 =	vsel vm3, $0x1A98, v6;
	v7 =	vsel vm3, $0x1E98, v7;
	v8 =	vsel vm3, $0x280, v8  }
0x2a: {  	v0 =	vsel vm4, $0x299, v0;
	v1 =	vsel vm4, $0x699, v1;
	v2 =	vsel vm4, $0xA99, v2  }
0x2b: {  	s4 =	rddreg [dreg:$0x0];
	v3 =	vsel vm4, $0xE99, v3;
	v4 =	vsel vm4, $0x1299, v4;
	v5 =	vsel vm4, $0x1699, v5  }
0x2c: {  	s0 =	rddreg [dreg:$0x1];
	s1 =	simm.s32 $0x0;
	v6 =	vsel vm4, $0x1A99, v6;
	v7 =	vsel vm4, $0x1E99, v7;
	v8 =	vsel vm4, $0x281, v8  }
0x2d: {  	s5 =	srdreg.scid;
	s2 =	stileid.u32;
	s10 =	simm.s32 $0x4100;
	v0 =	vsel vm5, $0x318, v0;
	v1 =	vsel vm5, $0x718, v1;
	v2 =	vsel vm5, $0xB18, v2  }
0x2e: {  	s11 =	simm.s32 $0x4080;
	s12 =	simm.s32 $0x6100;
	s13 =	simm.s32 $0x1;
	v3 =	vsel vm5, $0xF18, v3;
	v4 =	vsel vm5, $0x1318, v4;
	v5 =	vsel vm5, $0x1718, v5  }
0x2f: {  	s14 =	simm.s32 $0x2;
	s15 =	simm.s32 $0x0;
	[smem:$0x7FF] =	sst s1;
	v6 =	vsel vm5, $0x1B18, v6;
	v7 =	vsel vm5, $0x1F18, v7;
	v8 =	vsel vm5, $0x300, v8  }
0x30: {  	s3 =	sadd.s32 $0xC00, s4;
	s5 =	sand.u32 $0x1, s5;
	s6 =	sshll.u32 s2, $0xC;
	v0 =	vsel vm6, $0x319, v0;
	v1 =	vsel vm6, $0x719, v1;
	v2 =	vsel vm6, $0xB19, v2  }
0x31: {  	_ =	strace $0x8000004A;
	s7 =	sshll.u32 s5, $0xB;
	s5 =	ssub.s32 $0x2, s5;
	v3 =	vsel vm6, $0xF19, v3;
	v4 =	vsel vm6, $0x1319, v4;
	v5 =	vsel vm6, $0x1719, v5  }
0x32: {  	s8 =	sor.u32 s7, s6;
	s6 =	sadd.s32 s6, s4;
	s9 =	sshrl.u32 s5, $0x1;
	v6 =	vsel vm6, $0x1B19, v6;
	v7 =	vsel vm6, $0x1F19, v7;
	v8 =	vsel vm6, $0x301, v8  }
0x33: {  	s4 =	sadd.s32 s8, s4;
	s5 =	ssub.s32 s5, s9;
	s6 =	sadd.s32 s7, s6;
	v0 =	vsel vm7, $0x398, v0;
	v1 =	vsel vm7, $0x798, v1;
	v2 =	vsel vm7, $0xB98, v2  }
0x34: {  	s7 =	simm.s32 $0x3;
	s8 =	simm.s32 $0x80;
	s9 =	simm.s32 $0x4000;
	v3 =	vsel vm7, $0xF98, v3;
	v4 =	vsel vm7, $0x1398, v4;
	v5 =	vsel vm7, $0x1798, v5  }
0x35: {  	s4 =	sadd.s32 $0xC4200, s4;
	s5 =	smax.u32 s5, $0x1;
	s6 =	sadd.s32 $0x194200, s6;
	v6 =	vsel vm7, $0x1B98, v6;
	v7 =	vsel vm7, $0x1F98, v7;
	v8 =	vsel vm7, $0x380, v8  }
.LBB2_1:
0x36: {  	[tilespmem:s1], [sflag:$0x3] =	stream.linear.gather [hbm4b:s4+s1], $0x4000, $0x38;
	[tilespmem:$0x8100] =	vst v63  }
0x37: {  	_ =	swait.ge [sflag:s7], $0x4000  }
0x38: {  	[sflag:s7] =	ssyncset.done $0x0  }
0x39: {  	[sflag:s7] =	ssyncadd.s32 $0xFFFFC000  }
0x3a: {  	v9 =	vld.idx.msk [tilespmem:v0+s1+$0x0], $0xffff;
	_ =	sdelay $0x4  }
0x3b: {  	[tilespmem:$0x4000] =	vst v9  }
0x3c: {  	v9 =	vld.idx.msk [tilespmem:v1+s1+$0x0], $0xffff;
	_ =	sdelay $0x4  }
0x3d: {  	[tilespmem:$0x4010] =	vst v9  }
0x3e: {  	v9 =	vld.idx.msk [tilespmem:v2+s1+$0x0], $0xffff;
	_ =	sdelay $0x4  }
0x3f: {  	[tilespmem:$0x4020] =	vst v9  }
0x40: {  	v9 =	vld.idx.msk [tilespmem:v3+s1+$0x0], $0xffff;
	_ =	sdelay $0x4  }
0x41: {  	[tilespmem:$0x4030] =	vst v9  }
0x42: {  	v9 =	vld.idx.msk [tilespmem:v4+s1+$0x0], $0xffff;
	_ =	sdelay $0x4  }
0x43: {  	[tilespmem:$0x4040] =	vst v9  }
0x44: {  	v9 =	vld.idx.msk [tilespmem:v5+s1+$0x0], $0xffff;
	_ =	sdelay $0x4  }
0x45: {  	[tilespmem:$0x4050] =	vst v9  }
0x46: {  	v9 =	vld.idx.msk [tilespmem:v6+s1+$0x0], $0xffff;
	_ =	sdelay $0x4  }
0x47: {  	[tilespmem:$0x4060] =	vst v9  }
0x48: {  	v9 =	vld.idx.msk [tilespmem:v7+s1+$0x0], $0xffff  }
0x49: {  	s16 =	simm.s32 $0x2018  }
0x4a: {  	v10 =	vor.u32 s16, v8;
	_ =	sdelay $0x2  }
0x4b: {  	[tilespmem:$0x4070] =	vst v9  }
0x4c: {  	[tilespmem:s10], [sflag:$0x1] =	stream.indirect.gather [hbm4b:s3+s8], $0x40, s9, s8, $0xb8;
	[tilespmem:$0x8100] =	vst v63  }
0x4d: {  	s23 =	simm.s32 $0x2418;
	v9 =	vld.idx.msk [tilespmem:v10+s1+$0x0], $0xffff  }
0x4e: {  	v10 =	vor.u32 s23, v8;
	_ =	sdelay $0x3  }
0x4f: {  	[tilespmem:$0x4080] =	vst v9  }
0x50: {  	s24 =	simm.s32 $0x2818;
	v9 =	vld.idx.msk [tilespmem:v10+s1+$0x0], $0xffff  }
0x51: {  	v10 =	vor.u32 s24, v8;
	_ =	sdelay $0x3  }
0x52: {  	[tilespmem:$0x4090] =	vst v9  }
0x53: {  	s25 =	simm.s32 $0x2C18;
	v9 =	vld.idx.msk [tilespmem:v10+s1+$0x0], $0xffff  }
0x54: {  	v10 =	vor.u32 s25, v8;
	_ =	sdelay $0x3  }
0x55: {  	[tilespmem:$0x40A0] =	vst v9  }
0x56: {  	s26 =	simm.s32 $0x3018;
	v9 =	vld.idx.msk [tilespmem:v10+s1+$0x0], $0xffff  }
0x57: {  	v10 =	vor.u32 s26, v8;
	_ =	sdelay $0x3  }
0x58: {  	[tilespmem:$0x40B0] =	vst v9  }
0x59: {  	s28 =	simm.s32 $0x3418;
	v9 =	vld.idx.msk [tilespmem:v10+s1+$0x0], $0xffff  }
0x5a: {  	v10 =	vor.u32 s28, v8;
	_ =	sdelay $0x3  }
0x5b: {  	[tilespmem:$0x40C0] =	vst v9  }
0x5c: {  	s29 =	simm.s32 $0x3818;
	v9 =	vld.idx.msk [tilespmem:v10+s1+$0x0], $0xffff  }
0x5d: {  	v10 =	vor.u32 s29, v8;
	_ =	sdelay $0x2  }
0x5e: {  	p0 =	por $0x0, $0x0  }
0x5f: {  	[tilespmem:$0x40D0] =	vst v9;
	v9 =	vimm.s32 @!p0 $0x81800100  }
0x60: {  	s30 =	simm.s32 $0x3C18;
	v10 =	vld.idx.msk [tilespmem:v10+s1+$0x0], $0xffff;
	v9 =	vunpack.c.0.s8.s32 @!p0 v9  }
0x61: {  	v11 =	vor.u32 s30, v8  }
0x62: {  	vm0 =	vcmask @!p0 $0xF00;
	v9 =	vand.u32 @!p0 $0xFF, v9  }
0x63: {  	v9 =	vnsel @!p0 vm0, $0x381, v9;
	vm0 =	vcmask @!p0 $0x1310  }
0x64: {  	v9 =	vsel @!p0 vm0, $0x100, v9;
	vm0 =	vcmask @!p0 $0x1714  }
0x65: {  	[tilespmem:$0x40E0] =	vst v10;
	v9 =	vsel @!p0 vm0, $0x101, v9;
	vm0 =	vcmask @!p0 $0x1B18  }
0x66: {  	v10 =	vld.idx.msk [tilespmem:v11+s1+$0x0], $0xffff;
	v9 =	vsel @!p0 vm0, $0x180, v9;
	vm0 =	vcmask @!p0 $0x1F1C  }
0x67: {  	v9 =	vsel @!p0 vm0, $0x181, v9;
	vm0 =	vcmask @!p0 $0x2320  }
0x68: {  	v9 =	vsel @!p0 vm0, $0x200, v9;
	vm0 =	vcmask @!p0 $0x2724  }
0x69: {  	v9 =	vsel @!p0 vm0, $0x201, v9;
	vm0 =	vcmask @!p0 $0x2B28  }
0x6a: {  	v9 =	vsel @!p0 vm0, $0x280, v9;
	vm0 =	vcmask @!p0 $0x2F2C  }
0x6b: {  	[tilespmem:$0x40F0] =	vst v10;
	v9 =	vsel @!p0 vm0, $0x281, v9;
	vm0 =	vcmask @!p0 $0x3330  }
0x6c: {  	[tilespmem:s12], [sflag:$0x2] =	stream.indirect.gather [hbm4b:s3+s8], $0x40, s11, s8, $0xb8;
	v9 =	vsel @!p0 vm0, $0x300, v9;
	vm0 =	vcmask @!p0 $0x3734;
	[tilespmem:$0x8100] =	vst v63  }
0x6d: {  	_ =	swait.ge [sflag:s13], $0x2000;
	v9 =	vsel @!p0 vm0, $0x301, v9;
	vm0 =	vcmask @!p0 $0x3B38  }
0x6e: {  	s16 =	simm.s32 @!p0 $0x1A;
	[sflag:s13] =	ssyncset.done $0x0;
	v9 =	vsel @!p0 vm0, $0x380, v9  }
0x6f: {  	[sflag:s13] =	ssyncadd.s32 $0xFFFFE000;
	v10 =	vor.u32 @!p0 s16, v9  }
0x70: {  	[hbm4b:s6+s1] =	stream.linear.scatter [tilespmem:s10], [sflag:$0x3], $0x2000, $0x38;
	[tilespmem:$0x8100] =	vst v63  }
0x71: {  	_ =	swait.ge [sflag:s7], $0x2000  }
0x72: {  	[sflag:s7] =	ssyncset.done $0x0  }
0x73: {  	s16 =	simm.s32 @!p0 $0x0;
	[sflag:s7] =	ssyncadd.s32 $0xFFFFE000  }
0x74: {  	s17 =	simm.s32 @!p0 $0x41A;
	v10 =	vld.idx.msk @!p0 [tilespmem:v10+s16+$0x0], $0xffff  }
0x75: {  	v11 =	vor.u32 @!p0 s17, v9;
	_ =	sdelay $0x3  }
0x76: {  	[tilespmem:$0x4000] =	vst @!p0 v10  }
0x77: {  	s17 =	simm.s32 @!p0 $0x81A;
	v10 =	vld.idx.msk @!p0 [tilespmem:v11+s16+$0x0], $0xffff  }
0x78: {  	v11 =	vor.u32 @!p0 s17, v9;
	_ =	sdelay $0x3  }
0x79: {  	[tilespmem:$0x4010] =	vst @!p0 v10  }
0x7a: {  	s17 =	simm.s32 @!p0 $0xC1A;
	v10 =	vld.idx.msk @!p0 [tilespmem:v11+s16+$0x0], $0xffff  }
0x7b: {  	v11 =	vor.u32 @!p0 s17, v9;
	_ =	sdelay $0x3  }
0x7c: {  	[tilespmem:$0x4020] =	vst @!p0 v10  }
0x7d: {  	s17 =	simm.s32 @!p0 $0x101A;
	v10 =	vld.idx.msk @!p0 [tilespmem:v11+s16+$0x0], $0xffff  }
0x7e: {  	v11 =	vor.u32 @!p0 s17, v9;
	_ =	sdelay $0x3  }
0x7f: {  	[tilespmem:$0x4030] =	vst @!p0 v10  }
0x80: {  	s17 =	simm.s32 @!p0 $0x141A;
	v10 =	vld.idx.msk @!p0 [tilespmem:v11+s16+$0x0], $0xffff  }
0x81: {  	v11 =	vor.u32 @!p0 s17, v9;
	_ =	sdelay $0x3  }
0x82: {  	[tilespmem:$0x4040] =	vst @!p0 v10  }
0x83: {  	s17 =	simm.s32 @!p0 $0x181A;
	v10 =	vld.idx.msk @!p0 [tilespmem:v11+s16+$0x0], $0xffff  }
0x84: {  	v11 =	vor.u32 @!p0 s17, v9;
	_ =	sdelay $0x3  }
0x85: {  	[tilespmem:$0x4050] =	vst @!p0 v10  }
0x86: {  	s17 =	simm.s32 @!p0 $0x1C1A;
	v10 =	vld.idx.msk @!p0 [tilespmem:v11+s16+$0x0], $0xffff  }
0x87: {  	v9 =	vor.u32 @!p0 s17, v9;
	_ =	sdelay $0x3  }
0x88: {  	[tilespmem:$0x4060] =	vst @!p0 v10  }
0x89: {  	v9 =	vld.idx.msk @!p0 [tilespmem:v9+s16+$0x0], $0xffff;
	_ =	sdelay $0x4  }
0x8a: {  	s18 =	simm.s32 @!p0 $0x4100;
	s17 =	simm.s32 @!p0 $0x4000;
	s16 =	simm.s32 @!p0 $0x80;
	[tilespmem:$0x4070] =	vst @!p0 v9  }
0x8b: {  	[tilespmem:s18], [sflag:$0x1] =	stream.indirect.gather @!p0 [hbm4b:s3+s16], $0x40, s17, s16, $0xb8;
	[tilespmem:$0x8100] =	vst v63  }
0x8c: {  	_ =	swait.ge [sflag:s14], $0x2000  }
0x8d: {  	[sflag:s14] =	ssyncset.done $0x0  }
0x8e: {  	s31 =	sadd.s32 $0x400, s6;
	s16 =	simm.s32 $0x201A;
	[sflag:s14] =	ssyncadd.s32 $0xFFFFE000  }
0x8f: {  	v9 =	vor.u32 s16, v8;
	[hbm4b:s31+s1] =	stream.linear.scatter [tilespmem:s12], [sflag:$0x3], $0x2000, $0x38;
	[tilespmem:$0x8100] =	vst v63  }
0x90: {  	_ =	swait.ge [sflag:s7], $0x2000  }
0x91: {  	s18 =	simm.s32 $0x201C;
	s17 =	smov.u32 s6;
	[sflag:s7] =	ssyncset.done $0x0  }
.LBB2_2:
0x92: {  	[sflag:s7] =	ssyncadd.s32 $0xFFFFE000  }
0x93: {  	s17 =	sadd.s32 $0x10000, s17;
	s19 =	smov.u32 s18;
	s18 =	sadd.s32 $0x2, s18  }
0x94: {  	p0 =	sne.s32 s18, $0x2032;
	v9 =	vld.idx.msk [tilespmem:v9+s1+$0x0], $0xffff  }
0x95: {  	s20 =	sadd.s32 $0x400, s16  }
0x96: {  	v10 =	vor.u32 s20, v8;
	_ =	sdelay $0x3  }
0x97: {  	[tilespmem:$0x4080] =	vst v9  }
0x98: {  	v9 =	vld.idx.msk [tilespmem:v10+s1+$0x0], $0xffff  }
0x99: {  	s20 =	sadd.s32 $0x800, s16  }
0x9a: {  	v10 =	vor.u32 s20, v8;
	_ =	sdelay $0x3  }
0x9b: {  	[tilespmem:$0x4090] =	vst v9  }
0x9c: {  	v9 =	vld.idx.msk [tilespmem:v10+s1+$0x0], $0xffff  }
0x9d: {  	s20 =	sadd.s32 $0xC00, s16  }
0x9e: {  	v10 =	vor.u32 s20, v8;
	_ =	sdelay $0x3  }
0x9f: {  	[tilespmem:$0x40A0] =	vst v9  }
0xa0: {  	v9 =	vld.idx.msk [tilespmem:v10+s1+$0x0], $0xffff  }
0xa1: {  	s20 =	sadd.s32 $0x1000, s16  }
0xa2: {  	v10 =	vor.u32 s20, v8;
	_ =	sdelay $0x3  }
0xa3: {  	[tilespmem:$0x40B0] =	vst v9  }
0xa4: {  	v9 =	vld.idx.msk [tilespmem:v10+s1+$0x0], $0xffff  }
0xa5: {  	s20 =	sadd.s32 $0x1400, s16  }
0xa6: {  	v10 =	vor.u32 s20, v8;
	_ =	sdelay $0x3  }
0xa7: {  	[tilespmem:$0x40C0] =	vst v9  }
0xa8: {  	v9 =	vld.idx.msk [tilespmem:v10+s1+$0x0], $0xffff  }
0xa9: {  	s20 =	sadd.s32 $0x1800, s16  }
0xaa: {  	v10 =	vor.u32 s20, v8;
	_ =	sdelay $0x3  }
0xab: {  	[tilespmem:$0x40D0] =	vst v9  }
0xac: {  	p1 =	seq.s32 s16, $0x2030;
	v9 =	vld.idx.msk [tilespmem:v10+s1+$0x0], $0xffff  }
0xad: {  	s20 =	sadd.s32 $0x1C00, s16;
	v10 =	vimm.s32 @!p1 $0x81800100  }
0xae: {  	v11 =	vor.u32 s20, v8;
	v10 =	vunpack.c.0.s8.s32 @!p1 v10;
	_ =	sdelay $0x1  }
0xaf: {  	vm0 =	vcmask @!p1 $0xF00;
	v10 =	vand.u32 @!p1 $0xFF, v10  }
0xb0: {  	v10 =	vnsel @!p1 vm0, $0x381, v10;
	vm0 =	vcmask @!p1 $0x1310  }
0xb1: {  	[tilespmem:$0x40E0] =	vst v9;
	v9 =	vsel @!p1 vm0, $0x100, v10;
	vm0 =	vcmask @!p1 $0x1714  }
0xb2: {  	v10 =	vld.idx.msk [tilespmem:v11+s1+$0x0], $0xffff;
	v9 =	vsel @!p1 vm0, $0x101, v9;
	vm0 =	vcmask @!p1 $0x1B18  }
0xb3: {  	v9 =	vsel @!p1 vm0, $0x180, v9;
	vm0 =	vcmask @!p1 $0x1F1C  }
0xb4: {  	v9 =	vsel @!p1 vm0, $0x181, v9;
	vm0 =	vcmask @!p1 $0x2320  }
0xb5: {  	v9 =	vsel @!p1 vm0, $0x200, v9;
	vm0 =	vcmask @!p1 $0x2724  }
0xb6: {  	v9 =	vsel @!p1 vm0, $0x201, v9;
	vm0 =	vcmask @!p1 $0x2B28  }
0xb7: {  	v9 =	vsel @!p1 vm0, $0x280, v9;
	vm0 =	vcmask @!p1 $0x2F2C  }
0xb8: {  	s21 =	sadd.s32 @!p1 $0xFFFFFC02, s16;
	s20 =	sadd.s32 @!p1 $0xFFFFF802, s16;
	[tilespmem:$0x40F0] =	vst v10;
	v9 =	vsel @!p1 vm0, $0x281, v9;
	vm0 =	vcmask @!p1 $0x3330  }
0xb9: {  	[tilespmem:s12], [sflag:$0x2] =	stream.indirect.gather [hbm4b:s3+s8], $0x40, s11, s8, $0xb8;
	v9 =	vsel @!p1 vm0, $0x300, v9;
	vm0 =	vcmask @!p1 $0x3734;
	[tilespmem:$0x8100] =	vst v63  }
0xba: {  	s22 =	sadd.s32 @!p1 $0xFFFFE802, s16;
	s23 =	sadd.s32 @!p1 $0xFFFFF402, s16;
	_ =	swait.ge [sflag:s13], $0x2000;
	v9 =	vsel @!p1 vm0, $0x301, v9;
	vm0 =	vcmask @!p1 $0x3B38  }
0xbb: {  	s24 =	sadd.s32 @!p1 $0xFFFFE002, s16;
	s25 =	sadd.s32 @!p1 $0xFFFFE402, s16;
	[sflag:s13] =	ssyncset.done $0x0;
	v9 =	vsel @!p1 vm0, $0x380, v9  }
0xbc: {  	[sflag:s13] =	ssyncadd.s32 $0xFFFFE000;
	v10 =	vor.u32 @!p1 s24, v9;
	v11 =	vor.u32 @!p1 s25, v9;
	v12 =	vor.u32 @!p1 s22, v9;
	s22 =	sadd.s32 @!p1 $0xFFFFEC02, s16;
	s16 =	sadd.s32 @!p1 $0xFFFFF002, s16  }
0xbd: {  	v15 =	vor.u32 @!p1 s23, v9;
	[hbm4b:s17+s1] =	stream.linear.scatter [tilespmem:s10], [sflag:$0x3], $0x2000, $0x38;
	v13 =	vor.u32 @!p1 s22, v9;
	v14 =	vor.u32 @!p1 s16, v9;
	[tilespmem:$0x8100] =	vst v63  }
0xbe: {  	v16 =	vor.u32 @!p1 s20, v9;
	v9 =	vor.u32 @!p1 s21, v9;
	s16 =	smov.u32 s19;
	_ =	swait.ge [sflag:s7], $0x2000  }
0xbf: {  	[sflag:s7] =	ssyncset.done $0x0  }
0xc0: {  	s19 =	simm.s32 @!p1 $0x0;
	[sflag:s7] =	ssyncadd.s32 $0xFFFFE000  }
0xc1: {  	v10 =	vld.idx.msk @!p1 [tilespmem:v10+s19+$0x0], $0xffff;
	_ =	sdelay $0x5  }
0xc2: {  	[tilespmem:$0x4000] =	vst @!p1 v10  }
0xc3: {  	v10 =	vld.idx.msk @!p1 [tilespmem:v11+s19+$0x0], $0xffff;
	_ =	sdelay $0x5  }
0xc4: {  	[tilespmem:$0x4010] =	vst @!p1 v10  }
0xc5: {  	v10 =	vld.idx.msk @!p1 [tilespmem:v12+s19+$0x0], $0xffff;
	_ =	sdelay $0x5  }
0xc6: {  	[tilespmem:$0x4020] =	vst @!p1 v10  }
0xc7: {  	v10 =	vld.idx.msk @!p1 [tilespmem:v13+s19+$0x0], $0xffff;
	_ =	sdelay $0x5  }
0xc8: {  	[tilespmem:$0x4030] =	vst @!p1 v10  }
0xc9: {  	v10 =	vld.idx.msk @!p1 [tilespmem:v14+s19+$0x0], $0xffff;
	_ =	sdelay $0x5  }
0xca: {  	[tilespmem:$0x4040] =	vst @!p1 v10  }
0xcb: {  	v10 =	vld.idx.msk @!p1 [tilespmem:v15+s19+$0x0], $0xffff;
	_ =	sdelay $0x5  }
0xcc: {  	[tilespmem:$0x4050] =	vst @!p1 v10  }
0xcd: {  	v10 =	vld.idx.msk @!p1 [tilespmem:v16+s19+$0x0], $0xffff;
	_ =	sdelay $0x5  }
0xce: {  	[tilespmem:$0x4060] =	vst @!p1 v10  }
0xcf: {  	v9 =	vld.idx.msk @!p1 [tilespmem:v9+s19+$0x0], $0xffff;
	_ =	sdelay $0x5  }
0xd0: {  	s20 =	simm.s32 @!p1 $0x4000;
	s21 =	simm.s32 @!p1 $0x4100;
	s19 =	simm.s32 @!p1 $0x80;
	[tilespmem:$0x4070] =	vst @!p1 v9  }
0xd1: {  	[tilespmem:s21], [sflag:$0x1] =	stream.indirect.gather @!p1 [hbm4b:s3+s19], $0x40, s20, s19, $0xb8;
	[tilespmem:$0x8100] =	vst v63  }
0xd2: {  	_ =	swait.ge [sflag:s14], $0x2000  }
.Ltmp0:
0xd3: {  	[sflag:s14] =	ssyncset.done $0x0;
	(pc) =	sbr.rel @p0 .LBB2_2-.Ltmp0, $4  }
0xd4: {  	v9 =	vor.u32 s16, v8;
	s19 =	sadd.s32 $0x400, s17;
	[sflag:s14] =	ssyncadd.s32 $0xFFFFE000  }
0xd5: {  	[hbm4b:s19+s1] =	stream.linear.scatter [tilespmem:s12], [sflag:$0x3], $0x2000, $0x38;
	[tilespmem:$0x8100] =	vst v63  }
0xd6: {  	_ =	swait.ge [sflag:s7], $0x2000  }
0xd7: {  	[sflag:s7] =	ssyncset.done $0x0  }
0xd8: {  	_ =	sdelay $0x2  }
0xd9: {  	[sflag:s7] =	ssyncadd.s32 $0xFFFFE000  }
0xda: {  	s18 =	sadd.s32 $0x400, s16;
	v9 =	vld.idx.msk [tilespmem:v9+s1+$0x0], $0xffff  }
0xdb: {  	v10 =	vor.u32 s18, v8;
	_ =	sdelay $0x3  }
0xdc: {  	[tilespmem:$0x4080] =	vst v9  }
0xdd: {  	s24 =	sadd.s32 $0x800, s16;
	v9 =	vld.idx.msk [tilespmem:v10+s1+$0x0], $0xffff  }
0xde: {  	v10 =	vor.u32 s24, v8;
	_ =	sdelay $0x3  }
0xdf: {  	[tilespmem:$0x4090] =	vst v9  }
0xe0: {  	s25 =	sadd.s32 $0xC00, s16;
	v9 =	vld.idx.msk [tilespmem:v10+s1+$0x0], $0xffff  }
0xe1: {  	v10 =	vor.u32 s25, v8;
	_ =	sdelay $0x3  }
0xe2: {  	[tilespmem:$0x40A0] =	vst v9  }
0xe3: {  	s26 =	sadd.s32 $0x1000, s16;
	v9 =	vld.idx.msk [tilespmem:v10+s1+$0x0], $0xffff  }
0xe4: {  	v10 =	vor.u32 s26, v8;
	_ =	sdelay $0x3  }
0xe5: {  	[tilespmem:$0x40B0] =	vst v9  }
0xe6: {  	s28 =	sadd.s32 $0x1400, s16;
	v9 =	vld.idx.msk [tilespmem:v10+s1+$0x0], $0xffff  }
0xe7: {  	v10 =	vor.u32 s28, v8;
	_ =	sdelay $0x3  }
0xe8: {  	[tilespmem:$0x40C0] =	vst v9  }
0xe9: {  	s29 =	sadd.s32 $0x1800, s16;
	v9 =	vld.idx.msk [tilespmem:v10+s1+$0x0], $0xffff  }
0xea: {  	v10 =	vor.u32 s29, v8;
	_ =	sdelay $0x2  }
0xeb: {  	p0 =	seq.s32 s16, $0x2030  }
0xec: {  	[tilespmem:$0x40D0] =	vst v9;
	v9 =	vimm.s32 @!p0 $0x81800100  }
0xed: {  	s30 =	sadd.s32 $0x1C00, s16;
	v10 =	vld.idx.msk [tilespmem:v10+s1+$0x0], $0xffff;
	v9 =	vunpack.c.0.s8.s32 @!p0 v9  }
0xee: {  	v11 =	vor.u32 s30, v8  }
0xef: {  	vm0 =	vcmask @!p0 $0xF00;
	v9 =	vand.u32 @!p0 $0xFF, v9  }
0xf0: {  	v9 =	vnsel @!p0 vm0, $0x381, v9;
	vm0 =	vcmask @!p0 $0x1310  }
0xf1: {  	v9 =	vsel @!p0 vm0, $0x100, v9;
	vm0 =	vcmask @!p0 $0x1714  }
0xf2: {  	[tilespmem:$0x40E0] =	vst v10;
	v9 =	vsel @!p0 vm0, $0x101, v9;
	vm0 =	vcmask @!p0 $0x1B18  }
0xf3: {  	v10 =	vld.idx.msk [tilespmem:v11+s1+$0x0], $0xffff;
	v9 =	vsel @!p0 vm0, $0x180, v9;
	vm0 =	vcmask @!p0 $0x1F1C  }
0xf4: {  	v9 =	vsel @!p0 vm0, $0x181, v9;
	vm0 =	vcmask @!p0 $0x2320  }
0xf5: {  	v9 =	vsel @!p0 vm0, $0x200, v9;
	vm0 =	vcmask @!p0 $0x2724  }
0xf6: {  	v9 =	vsel @!p0 vm0, $0x201, v9;
	vm0 =	vcmask @!p0 $0x2B28  }
0xf7: {  	v9 =	vsel @!p0 vm0, $0x280, v9;
	vm0 =	vcmask @!p0 $0x2F2C  }
0xf8: {  	[tilespmem:$0x40F0] =	vst v10;
	v9 =	vsel @!p0 vm0, $0x281, v9;
	vm0 =	vcmask @!p0 $0x3330  }
0xf9: {  	[tilespmem:s12], [sflag:$0x2] =	stream.indirect.gather [hbm4b:s3+s8], $0x40, s11, s8, $0xb8;
	v9 =	vsel @!p0 vm0, $0x300, v9;
	vm0 =	vcmask @!p0 $0x3734;
	[tilespmem:$0x8100] =	vst v63  }
0xfa: {  	_ =	swait.ge [sflag:s13], $0x2000;
	v9 =	vsel @!p0 vm0, $0x301, v9;
	vm0 =	vcmask @!p0 $0x3B38  }
0xfb: {  	s18 =	sadd.s32 @!p0 $0xFFFFE002, s16;
	[sflag:s13] =	ssyncset.done $0x0;
	v9 =	vsel @!p0 vm0, $0x380, v9  }
0xfc: {  	s17 =	sadd.s32 $0x10000, s17;
	[sflag:s13] =	ssyncadd.s32 $0xFFFFE000;
	v10 =	vor.u32 @!p0 s18, v9  }
0xfd: {  	[hbm4b:s17+s1] =	stream.linear.scatter [tilespmem:s10], [sflag:$0x3], $0x2000, $0x38;
	[tilespmem:$0x8100] =	vst v63  }
0xfe: {  	_ =	swait.ge [sflag:s7], $0x2000  }
0xff: {  	[sflag:s7] =	ssyncset.done $0x0  }
0x100: {  	s18 =	simm.s32 @!p0 $0x0;
	[sflag:s7] =	ssyncadd.s32 $0xFFFFE000  }
0x101: {  	s19 =	sadd.s32 @!p0 $0xFFFFE402, s16;
	v10 =	vld.idx.msk @!p0 [tilespmem:v10+s18+$0x0], $0xffff  }
0x102: {  	v11 =	vor.u32 @!p0 s19, v9;
	_ =	sdelay $0x3  }
0x103: {  	[tilespmem:$0x4000] =	vst @!p0 v10  }
0x104: {  	s19 =	sadd.s32 @!p0 $0xFFFFE802, s16;
	v10 =	vld.idx.msk @!p0 [tilespmem:v11+s18+$0x0], $0xffff  }
0x105: {  	v11 =	vor.u32 @!p0 s19, v9;
	_ =	sdelay $0x3  }
0x106: {  	[tilespmem:$0x4010] =	vst @!p0 v10  }
0x107: {  	s19 =	sadd.s32 @!p0 $0xFFFFEC02, s16;
	v10 =	vld.idx.msk @!p0 [tilespmem:v11+s18+$0x0], $0xffff  }
0x108: {  	v11 =	vor.u32 @!p0 s19, v9;
	_ =	sdelay $0x3  }
0x109: {  	[tilespmem:$0x4020] =	vst @!p0 v10  }
0x10a: {  	s19 =	sadd.s32 @!p0 $0xFFFFF002, s16;
	v10 =	vld.idx.msk @!p0 [tilespmem:v11+s18+$0x0], $0xffff  }
0x10b: {  	v11 =	vor.u32 @!p0 s19, v9;
	_ =	sdelay $0x3  }
0x10c: {  	[tilespmem:$0x4030] =	vst @!p0 v10  }
0x10d: {  	s19 =	sadd.s32 @!p0 $0xFFFFF402, s16;
	v10 =	vld.idx.msk @!p0 [tilespmem:v11+s18+$0x0], $0xffff  }
0x10e: {  	v11 =	vor.u32 @!p0 s19, v9;
	_ =	sdelay $0x3  }
0x10f: {  	[tilespmem:$0x4040] =	vst @!p0 v10  }
0x110: {  	s19 =	sadd.s32 @!p0 $0xFFFFF802, s16;
	v10 =	vld.idx.msk @!p0 [tilespmem:v11+s18+$0x0], $0xffff  }
0x111: {  	v11 =	vor.u32 @!p0 s19, v9;
	_ =	sdelay $0x3  }
0x112: {  	[tilespmem:$0x4050] =	vst @!p0 v10  }
0x113: {  	s16 =	sadd.s32 @!p0 $0xFFFFFC02, s16;
	v10 =	vld.idx.msk @!p0 [tilespmem:v11+s18+$0x0], $0xffff  }
0x114: {  	v9 =	vor.u32 @!p0 s16, v9;
	_ =	sdelay $0x3  }
0x115: {  	[tilespmem:$0x4060] =	vst @!p0 v10  }
0x116: {  	v9 =	vld.idx.msk @!p0 [tilespmem:v9+s18+$0x0], $0xffff;
	_ =	sdelay $0x4  }
0x117: {  	s16 =	simm.s32 @!p0 $0x80;
	s19 =	simm.s32 @!p0 $0x4100;
	s18 =	simm.s32 @!p0 $0x4000;
	[tilespmem:$0x4070] =	vst @!p0 v9  }
0x118: {  	[tilespmem:s19], [sflag:$0x1] =	stream.indirect.gather @!p0 [hbm4b:s3+s16], $0x40, s18, s16, $0xb8;
	[tilespmem:$0x8100] =	vst v63  }
0x119: {  	s15 =	sadd.s32 $0x1, s15;
	_ =	swait.ge [sflag:s14], $0x2000  }
0x11a: {  	p0 =	sne.s32 s15, s5;
	[sflag:s14] =	ssyncset.done $0x0  }
.Ltmp1:
0x11b: {  	s31 =	sadd.s32 $0x400, s17;
	[sflag:s14] =	ssyncadd.s32 $0xFFFFE000;
	(pc) =	sbr.rel @p0 .LBB2_1-.Ltmp1, $4  }
0x11c: {  	[hbm4b:s31+s1] =	stream.linear.scatter [tilespmem:s12], [sflag:$0x3], $0x2000, $0x38;
	[tilespmem:$0x8100] =	vst v63  }
0x11d: {  	_ =	swait.ge [sflag:s7], $0x2000  }
0x11e: {  	[sflag:s7] =	ssyncset.done $0x0  }
0x11f: {  	[sflag:s7] =	ssyncadd.s32 $0xFFFFE000  }
0x120: {  	_ =	sfence.sel $0x180000  }
0x121: {  	[bflag:$0x0] =	sbarrier.arrive $0xFFFF  }
0x122: {  	p0 =	sne.s32 s2, $0x0;
	_ =	strace $0x9000004A  }
0x123: {  	s0 =	sadd.s32 @!p0 $0x100000, s0;
	[bflag:$0x2] =	sbarrier.arrive $0xFFFF  }
0x124: {  	[sflag:s0] =	ssyncadd.tile.s32 @!p0 $0x1;
	_ =	shalt  }
.Lfunc_end2:
_tile_overlayer_lowered:
.L_overlay_start_2:
0x125: {  	(tag) =	ssettag $0x2  }
0x126: {  	s0 =	rddreg [dreg:$0x0];
	s2 =	stileid.u32  }
0x127: {  	s1 =	rddreg [dreg:$0x1];
	p0 =	sne.s32 s2, $0x0  }
0x128: {  	s3 =	rddreg [dreg:$0x2];
	[bflag:$0x3] =	sbarrier.arrive $0xFFFF;
	s2 =	simm.s32 @!p0 $0x1C03  }
0x129: {  	[timem:s3], [sflag:s2] =	dma.local @!p0 [hbm:s0], s1  }
0x12a: {  	s0 =	simm.s32 @!p0 $0x3  }
0x12b: {  	_ =	swait.ge @!p0 [sflag:s0], s1  }
0x12c: {  	s1 =	ssub.s32 @!p0 $0x0, s1;
	[sflag:s0] =	ssyncset.done @!p0 $0x0  }
0x12d: {  	[sflag:s0] =	ssyncadd.s32 @!p0 s1  }
0x12e: {  	[bflag:$0x3] =	sbarrier.arrive $0xFFFF  }
0x12f: {  	_ =	shalt  }

// kernel: kernel.7.cloned.1.call-start
scs
__scs_entry_jumppad:
0x0: {  	(pc) =	sbr.rel $0x88, $3  }
0x1: {  	(tag) =	ssettag $0x0;
	lr =	simm.s32 $0x1  }
0x2: {  	[smem:$0x3F9E] =	sst lr;
	_ =	strace $0xD0000000  }
0x3: {  	_ = 	snop  }
0x4: {  	_ = 	snop  }
0x5: {  	_ = 	snop  }
0x6: {  	_ = 	snop  }
0x7: {  	_ = 	snop  }
__scs_overlays_trampoline_lowered:
0x8: {  	[smem:$0x3FAD] =	sst s0  }
0x9: {  	[smem:$0x3FAE] =	sst s1  }
0xa: {  	[smem:$0x3FAF] =	sst s2  }
0xb: {  	[smem:$0x3FB0] =	sst s3  }
0xc: {  	[smem:$0x3FB1] =	sst s4  }
0xd: {  	[smem:$0x3FB2] =	sst s5  }
0xe: {  	[smem:$0x3FB3] =	sst s6  }
0xf: {  	[smem:$0x3FB4] =	sst s7  }
0x10: {  	[smem:$0x3FB5] =	sst s8  }
0x11: {  	[smem:$0x3FB6] =	sst s9;
	s0 =	simm.s32 @!p0 $0x0  }
0x12: {  	s1 =	sld [smem:$0x3F9C];
	s0 =	simm.s32 @p0 $0x1  }
0x13: {  	[smem:$0x3FB7] =	sst s0;
	s0 =	simm.s32 @!p1 $0x0  }
0x14: {  	s2 =	sld [smem:$0x3F9B];
	s0 =	simm.s32 @p1 $0x1  }
0x15: {  	[smem:$0x3FB8] =	sst s0;
	s0 =	simm.s32 @!p2 $0x0  }
0x16: {  	s3 =	sld [smem:$0x3FDB];
	s0 =	simm.s32 @p2 $0x1  }
0x17: {  	s4 =	simm.s32 $0x1BF5;
	[smem:$0x3FBA] =	sst s0  }
0x18: {  	s0 =	sld [smem:$0x3F9D];
	_ =	swait.ge [sflag:s4], $0x0  }
0x19: {  	s7 =	sld [smem:$0x3F9E]  }
0x1a: {  	s8 =	sadd.s32 $0xFFFFE003, lr  }
0x1b: {  	s9 =	sadd.s32 $0xFFFFFEF7, lr;
	s5 =	simm.s32 $0xFFFFFFFF;
	p2 =	slt.u32 s8, $0xFFFFF086  }
0x1c: {  	p1 =	slt.u32 s9, $0xF7A;
	s5 =	simm.s32 @!p2 $0x0  }
0x1d: {  	s5 =	simm.s32 @p1 $0x1;
	p0 =	seq.s32 s7, s2  }
0x1e: {  	s7 =	smul.u32 @!p0 $0xF7A, s2;
	p2 =	seq.s32 @!p0 s5, $0x0  }
0x1f: {  	s9 =	smul.u32 $0xF7A, s1;
	s8 =	simm.s32 @!p0 $0x1BF5;
	p2 =	por !p2, p0  }
0x20: {  	[sflag:s8] =	ssyncset.s32 @!p0 $0xFFFFF086;
	s6 =	sadd.s32 @!p0 s3, s7;
	s7 =	simm.s32 @!p0 $0x108  }
0x21: {  	s3 =	sadd.s32 s3, s9;
	s6 =	sadd.s32 @!p0 $0x88, s6;
	s7 =	simm.s32 @p2 $0x1082  }
0x22: {  	[simem:s7], [sflag:s8] =	dma.local @!p0 [hbm:s6], $0xF7A  }
0x23: {  	s9 =	sor.u32 $0xD0000000, s2;
	s6 =	simm.s32 $0x108;
	_ =	swait.ge @!p0 [sflag:s8], $0x0  }
0x24: {  	s3 =	sadd.s32 $0x88, s3;
	s6 =	simm.s32 @!p1 $0x1082;
	[sflag:s4] =	ssyncset.s32 $0xFFFFF086  }
0x25: {  	[simem:s6], [sflag:s4] =	dma.local [hbm:s3], $0xF7A  }
0x26: {  	[smem:$0x3F9E] =	sst s1;
	(tag) =	ssettag s2;
	_ =	strace s9  }
0x27: {  	s1 =	sld [smem:$0x3FAE]  }
0x28: {  	s2 =	sld [smem:$0x3FAF]  }
0x29: {  	s4 =	sld [smem:$0x3FB1]  }
0x2a: {  	p0 =	seq.s32 s5, $0x0;
	s5 =	sld [smem:$0x3FB2]  }
0x2b: {  	s6 =	sld [smem:$0x3FB3]  }
0x2c: {  	s7 =	sld [smem:$0x3FB4]  }
0x2d: {  	s3 =	simm.s32 $0x108;
	s8 =	sld [smem:$0x3FB5]  }
0x2e: {  	s3 =	simm.s32 @!p0 $0x1082;
	s9 =	sld [smem:$0x3FB6]  }
0x2f: {  	lr =	sadd.s32 s0, s3;
	s0 =	sld [smem:$0x3FAD]  }
0x30: {  	s3 =	sld [smem:$0x3FB0]  }
0x31: {  	[smem:$0x3FB9] =	sst s10  }
0x32: {  	s10 =	sld [smem:$0x3FB7];
	_ =	sdelay $0x3  }
0x33: {  	p0 =	seq.s32 s10, $0x1;
	s10 =	sld [smem:$0x3FB9];
	_ =	sdelay $0x3  }
0x34: {  	[smem:$0x3FB9] =	sst s10  }
0x35: {  	s10 =	sld [smem:$0x3FB8];
	_ =	sdelay $0x3  }
0x36: {  	p1 =	seq.s32 s10, $0x1;
	s10 =	sld [smem:$0x3FB9];
	_ =	sdelay $0x3  }
0x37: {  	[smem:$0x3FB9] =	sst s10  }
0x38: {  	s10 =	sld [smem:$0x3FBA]  }
0x39: {  	_ = 	snop;
	(pc) =	sbr.ind lr, $3  }
0x3a: {  	_ = 	snop  }
0x3b: {  	_ = 	snop  }
0x3c: {  	p2 =	seq.s32 s10, $0x1;
	s10 =	sld [smem:$0x3FB9]  }
0x3d: {  	_ =	shalt  }
0x3e: {  	_ =	shalt  }
0x3f: {  	_ =	shalt  }
0x40: {  	_ =	shalt  }
0x41: {  	_ =	shalt  }
0x42: {  	_ =	shalt  }
0x43: {  	_ =	shalt  }
0x44: {  	_ =	shalt  }
0x45: {  	_ =	shalt  }
0x46: {  	_ =	shalt  }
0x47: {  	_ =	shalt  }
0x48: {  	_ =	shalt  }
0x49: {  	_ =	shalt  }
0x4a: {  	_ =	shalt  }
0x4b: {  	_ =	shalt  }
0x4c: {  	_ =	shalt  }
0x4d: {  	_ =	shalt  }
0x4e: {  	_ =	shalt  }
0x4f: {  	_ =	shalt  }
0x50: {  	_ =	shalt  }
0x51: {  	_ =	shalt  }
0x52: {  	_ =	shalt  }
0x53: {  	_ =	shalt  }
0x54: {  	_ =	shalt  }
0x55: {  	_ =	shalt  }
0x56: {  	_ =	shalt  }
0x57: {  	_ =	shalt  }
0x58: {  	_ =	shalt  }
0x59: {  	_ =	shalt  }
0x5a: {  	_ =	shalt  }
0x5b: {  	_ =	shalt  }
0x5c: {  	_ =	shalt  }
0x5d: {  	_ =	shalt  }
0x5e: {  	_ =	shalt  }
0x5f: {  	_ =	shalt  }
0x60: {  	_ =	shalt  }
0x61: {  	_ =	shalt  }
0x62: {  	_ =	shalt  }
0x63: {  	_ =	shalt  }
0x64: {  	_ =	shalt  }
0x65: {  	_ =	shalt  }
0x66: {  	_ =	shalt  }
0x67: {  	_ =	shalt  }
0x68: {  	_ =	shalt  }
0x69: {  	_ =	shalt  }
0x6a: {  	_ =	shalt  }
0x6b: {  	_ =	shalt  }
0x6c: {  	_ =	shalt  }
0x6d: {  	_ =	shalt  }
0x6e: {  	_ =	shalt  }
0x6f: {  	_ =	shalt  }
0x70: {  	_ =	shalt  }
0x71: {  	_ =	shalt  }
0x72: {  	_ =	shalt  }
0x73: {  	_ =	shalt  }
0x74: {  	_ =	shalt  }
0x75: {  	_ =	shalt  }
0x76: {  	_ =	shalt  }
0x77: {  	_ =	shalt  }
0x78: {  	_ =	shalt  }
0x79: {  	_ =	shalt  }
0x7a: {  	_ =	shalt  }
0x7b: {  	_ =	shalt  }
0x7c: {  	_ =	shalt  }
0x7d: {  	_ =	shalt  }
0x7e: {  	_ =	shalt  }
0x7f: {  	_ =	shalt  }
0x80: {  	_ =	shalt  }
0x81: {  	_ =	shalt  }
0x82: {  	_ =	shalt  }
0x83: {  	_ =	shalt  }
0x84: {  	_ =	shalt  }
0x85: {  	_ =	shalt  }
0x86: {  	_ =	shalt  }
0x87: {  	_ =	shalt  }
.Lfunc_end0:
.L_simem_size_0:
called_computation_lowered:
.L_overlay_start_0:
0x88: {  	s2 =	sld [smem:$0x3FD9]  }
0x89: {  	s3 =	sld [smem:$0x3FFE];
	_ =	sdelay $0x1  }
0x8a: {  	s1 =	srdreg.scid  }
0x8b: {  	s0 =	sand.u32 $0x1, s1  }
0x8c: {  	s16 =	sshll.u32 s0, $0xA;
	s2 =	sadd.s32 s3, s2  }
0x8d: {  	s2 =	sadd.s32 s2, s16  }
0x8e: {  	[smem:$0x3FC5] =	sst s2  }
0x8f: {  	_ = 	snop  }
0x90: {  	(tm) =	ssettm $0x1  }
0x91: {  	s17 =	sld [smem:$0x3FFB];
	_ =	sdelay $0x3  }
0x92: {  	_ =	strace s17  }
0x93: {  	s2 =	sld [smem:$0x3FFC];
	_ =	sdelay $0x3  }
0x94: {  	_ =	strace s2  }
0x95: {  	s2 =	sld [smem:$0x3FFD];
	_ =	sdelay $0x3  }
0x96: {  	_ =	strace s2  }
0x97: {  	_ =	strace $0x8FFFFFFF  }
0x98: {  	s18 =	sld [smem:$0x3FDB];
	_ =	sdelay $0x1  }
0x99: {  	s19 =	simm.s32 $_scs_section_size  }
0x9a: {  	s4 =	simm.s32 $_size__tile_overlayer_lowered;
	s5 =	simm.s32 $_tile_overlayer_lowered  }
0x9b: {  	s22 =	simm.s32 $0x1BFF;
	s21 =	sshll.u32 s5, $0x1;
	s2 =	sadd.s32 s19, s18  }
0x9c: {  	s6 =	simm.s32 $0x0;
	s20 =	sshll.u32 s4, $0x1;
	s4 =	sadd.s32 s21, s2  }
0x9d: {  	[timem:s6], [sflag:s22] =	dma.local [hbm:s4], s20  }
0x9e: {  	_ =	swait.ge [sflag:s22], s20  }
0x9f: {  	s3 =	ssub.s32 $0x0, s20;
	[sflag:s22] =	ssyncset.done $0x0  }
0xa0: {  	[sflag:s22] =	ssyncadd.s32 s3;
	_ =	sdelay $0x1  }
0xa1: {  	s23 =	simm.s32 $0x1B8B  }
0xa2: {  	_ =	swait.ge [sflag:s23], $0x1  }
0xa3: {  	[sflag:s23] =	ssyncset.done $0x0  }
0xa4: {  	s25 =	simm.s32 $0x1B8E;
	s24 =	sld [smem:$0x3FFE];
	[sflag:s23] =	ssyncadd.s32 $0xFFFFFFFF  }
0xa5: {  	s26 =	simm.s32 $execute0_lowered;
	[smem:$0x3FD2] =	sst s25  }
0xa6: {  	s4 =	sshll.u32 s26, $0x1;
	_ =	strace $0x80000046;
	[dreg:$0x1] =	wrdreg $0xFFFFFFFF  }
0xa7: {  	s28 =	simm.s32 $_size_execute0_lowered;
	s2 =	sadd.s32 s2, s4;
	[dreg:$0x0] =	wrdreg $0x0  }
0xa8: {  	s4 =	sshll.u32 s28, $0x1;
	[dreg:$0x2] =	wrdreg s2  }
0xa9: {  	[dreg:$0x3] =	wrdreg s4  }
0xaa: {  	[dreg:$0x4] =	wrdreg $0xC0  }
0xab: {  	_ =	task [dreg:s6], $0x5FFFF  }
0xac: {  	[dreg:$0x1] =	wrdreg $0xFFFFFFFF  }
0xad: {  	[dreg:$0x0] =	wrdreg $0x60  }
0xae: {  	[dreg:$0x2] =	wrdreg s24  }
0xaf: {  	[dreg:$0x3] =	wrdreg $0x9  }
0xb0: {  	_ =	task.clear_ibuf [dreg:s6], $0x4FFFF;
	_ =	strace $0x90000046  }
0xb1: {  	s29 =	simm.s32 $0x9;
	_ =	strace $0x80000048  }
0xb2: {  	_ =	swait.ge [sflag:s29], $0x1  }
0xb3: {  	[sflag:s29] =	ssyncadd.s32 $0xFFFFFFFF  }
0xb4: {  	_ =	strace $0x90000048  }
0xb5: {  	_ =	sfence  }
0xb6: {  	s30 =	sld [smem:$0x0];
	_ =	sdelay $0x2  }
0xb7: {  	s31 =	sshll.u32 s1, $0xD;
	s1 =	sshrl.u32 s1, $0x2  }
0xb8: {  	s3 =	sand.u32 $0x4000, s31;
	s1 =	sadd.s32 s1, s30  }
0xb9: {  	s0 =	sor.u32 s3, s0;
	s1 =	sshll.u32 s1, $0x11  }
0xba: {  	s0 =	sor.u32 s1, s0  }
0xbb: {  	s0 =	sadd.s32 $0x8F2B, s0  }
0xbc: {  	[sflag:s0] =	ssyncadd.remote.s32 $0x1  }
0xbd: {  	_ =	sfence.sel $0xFFFF  }
0xbe: {  	[dreg:$0x0] =	wrdreg $0xFFFFFFFF;
	(pc) =	sbr.abs _section_cstart, $3  }
0xbf: {  	[dreg:$0x1] =	wrdreg $0xFFFFFFFF  }
0xc0: {  	_ =	task.clear_ibuf [dreg:s6], $0x2FFFF;
	_ =	strace $0x9FFFFFFF  }
0xc1: {  	(tm) =	ssettm $0x7FFFFFFF  }
tec
execute0_lowered:
.L_overlay_start_1:
0x0: {  	(tag) =	ssettag $0x1  }
0x1: {  	v0 =	vimm.s32 $0x81800100;
	v1 =	vimm.s32 $0x781  }
0x2: {  	vm14 =	vcmask $0x300;
	vm12 =	vcmask $0x704;
	vm13 =	vcmask $0xB08  }
0x3: {  	vm0 =	vcmask $0xF00;
	vm11 =	vcmask $0xF0C;
	vm10 =	vcmask $0x1310  }
0x4: {  	vm9 =	vcmask $0x1714;
	vm8 =	vcmask $0x1B18;
	vm7 =	vcmask $0x1F1C  }
0x5: {  	vm6 =	vcmask $0x2320;
	vm5 =	vcmask $0x2724;
	vm4 =	vcmask $0x2B28  }
0x6: {  	vm3 =	vcmask $0x2F2C;
	vm2 =	vcmask $0x3330;
	vm1 =	vcmask $0x3734  }
0x7: {  	vm15 =	vcmask $0x3B38;
	v2 =	vimm.s32 $0xB81;
	v3 =	vimm.s32 $0xF81  }
0x8: {  	v4 =	vimm.s32 $0x1381;
	v5 =	vimm.s32 $0x1781;
	v6 =	vimm.s32 $0x1B81  }
0x9: {  	v7 =	vimm.s32 $0x1F81;
	v0 =	vunpack.c.0.s8.s32 v0;
	v1 =	vsel vm14, $0x400, v1  }
0xa: {  	v2 =	vsel vm14, $0x800, v2;
	v3 =	vsel vm14, $0xC00, v3;
	v4 =	vsel vm14, $0x1000, v4  }
0xb: {  	v5 =	vsel vm14, $0x1400, v5;
	v6 =	vsel vm14, $0x1800, v6;
	v7 =	vsel vm14, $0x1C00, v7  }
0xc: {  	v1 =	vsel vm12, $0x401, v1;
	v2 =	vsel vm12, $0x801, v2;
	v3 =	vsel vm12, $0xC01, v3  }
0xd: {  	v4 =	vsel vm12, $0x1001, v4;
	v5 =	vsel vm12, $0x1401, v5;
	v6 =	vsel vm12, $0x1801, v6  }
0xe: {  	v7 =	vsel vm12, $0x1C01, v7;
	v0 =	vand.u32 $0xFF, v0;
	v1 =	vsel vm13, $0x480, v1  }
0xf: {  	v2 =	vsel vm13, $0x880, v2;
	v3 =	vsel vm13, $0xC80, v3;
	v4 =	vsel vm13, $0x1080, v4  }
0x10: {  	v5 =	vsel vm13, $0x1480, v5;
	v6 =	vsel vm13, $0x1880, v6;
	v7 =	vsel vm13, $0x1C80, v7  }
0x11: {  	v0 =	vnsel vm0, $0x381, v0;
	v1 =	vsel vm11, $0x481, v1;
	v2 =	vsel vm11, $0x881, v2  }
0x12: {  	v3 =	vsel vm11, $0xC81, v3;
	v4 =	vsel vm11, $0x1081, v4;
	v5 =	vsel vm11, $0x1481, v5  }
0x13: {  	v6 =	vsel vm11, $0x1881, v6;
	v7 =	vsel vm11, $0x1C81, v7;
	v0 =	vsel vm10, $0x100, v0  }
0x14: {  	v1 =	vsel vm10, $0x500, v1;
	v2 =	vsel vm10, $0x900, v2;
	v3 =	vsel vm10, $0xD00, v3  }
0x15: {  	v4 =	vsel vm10, $0x1100, v4;
	v5 =	vsel vm10, $0x1500, v5;
	v6 =	vsel vm10, $0x1900, v6  }
0x16: {  	v7 =	vsel vm10, $0x1D00, v7;
	v0 =	vsel vm9, $0x101, v0;
	v1 =	vsel vm9, $0x501, v1  }
0x17: {  	v2 =	vsel vm9, $0x901, v2;
	v3 =	vsel vm9, $0xD01, v3;
	v4 =	vsel vm9, $0x1101, v4  }
0x18: {  	v5 =	vsel vm9, $0x1501, v5;
	v6 =	vsel vm9, $0x1901, v6;
	v7 =	vsel vm9, $0x1D01, v7  }
0x19: {  	v0 =	vsel vm8, $0x180, v0;
	v1 =	vsel vm8, $0x580, v1;
	v2 =	vsel vm8, $0x980, v2  }
0x1a: {  	v3 =	vsel vm8, $0xD80, v3;
	v4 =	vsel vm8, $0x1180, v4;
	v5 =	vsel vm8, $0x1580, v5  }
0x1b: {  	v6 =	vsel vm8, $0x1980, v6;
	v7 =	vsel vm8, $0x1D80, v7;
	v0 =	vsel vm7, $0x181, v0  }
0x1c: {  	v1 =	vsel vm7, $0x581, v1;
	v2 =	vsel vm7, $0x981, v2;
	v3 =	vsel vm7, $0xD81, v3  }
0x1d: {  	v4 =	vsel vm7, $0x1181, v4;
	v5 =	vsel vm7, $0x1581, v5;
	v6 =	vsel vm7, $0x1981, v6  }
0x1e: {  	v7 =	vsel vm7, $0x1D81, v7;
	v0 =	vsel vm6, $0x200, v0;
	v1 =	vsel vm6, $0x600, v1  }
0x1f: {  	v2 =	vsel vm6, $0xA00, v2;
	v3 =	vsel vm6, $0xE00, v3;
	v4 =	vsel vm6, $0x1200, v4  }
0x20: {  	v5 =	vsel vm6, $0x1600, v5;
	v6 =	vsel vm6, $0x1A00, v6;
	v7 =	vsel vm6, $0x1E00, v7  }
0x21: {  	v0 =	vsel vm5, $0x201, v0;
	v1 =	vsel vm5, $0x601, v1;
	v2 =	vsel vm5, $0xA01, v2  }
0x22: {  	v3 =	vsel vm5, $0xE01, v3;
	v4 =	vsel vm5, $0x1201, v4;
	v5 =	vsel vm5, $0x1601, v5  }
0x23: {  	v6 =	vsel vm5, $0x1A01, v6;
	v7 =	vsel vm5, $0x1E01, v7;
	v0 =	vsel vm4, $0x280, v0  }
0x24: {  	v1 =	vsel vm4, $0x680, v1;
	v2 =	vsel vm4, $0xA80, v2;
	v3 =	vsel vm4, $0xE80, v3  }
0x25: {  	v4 =	vsel vm4, $0x1280, v4;
	v5 =	vsel vm4, $0x1680, v5;
	v6 =	vsel vm4, $0x1A80, v6  }
0x26: {  	s4 =	rddreg [dreg:$0x0];
	v7 =	vsel vm4, $0x1E80, v7;
	v0 =	vsel vm3, $0x281, v0;
	v1 =	vsel vm3, $0x681, v1  }
0x27: {  	s0 =	rddreg [dreg:$0x1];
	s1 =	simm.s32 $0x0;
	v2 =	vsel vm3, $0xA81, v2;
	v3 =	vsel vm3, $0xE81, v3;
	v4 =	vsel vm3, $0x1281, v4  }
0x28: {  	s5 =	srdreg.scid;
	s2 =	stileid.u32;
	s10 =	simm.s32 $0x4100;
	v5 =	vsel vm3, $0x1681, v5;
	v6 =	vsel vm3, $0x1A81, v6;
	v7 =	vsel vm3, $0x1E81, v7  }
0x29: {  	s11 =	simm.s32 $0x4080;
	s12 =	simm.s32 $0x6100;
	s13 =	simm.s32 $0x1;
	v0 =	vsel vm2, $0x300, v0;
	v1 =	vsel vm2, $0x700, v1;
	v2 =	vsel vm2, $0xB00, v2  }
0x2a: {  	s14 =	simm.s32 $0x2;
	s15 =	simm.s32 $0x0;
	[smem:$0x7FF] =	sst s1;
	v3 =	vsel vm2, $0xF00, v3;
	v4 =	vsel vm2, $0x1300, v4;
	v5 =	vsel vm2, $0x1700, v5  }
0x2b: {  	s3 =	sadd.s32 $0xC00, s4;
	s5 =	sand.u32 $0x1, s5;
	s6 =	sshll.u32 s2, $0xC;
	v6 =	vsel vm2, $0x1B00, v6;
	v7 =	vsel vm2, $0x1F00, v7;
	v0 =	vsel vm1, $0x301, v0  }
0x2c: {  	_ =	strace $0x80000047;
	s7 =	sshll.u32 s5, $0xB;
	s5 =	ssub.s32 $0x2, s5;
	v1 =	vsel vm1, $0x701, v1;
	v2 =	vsel vm1, $0xB01, v2;
	v3 =	vsel vm1, $0xF01, v3  }
0x2d: {  	s8 =	sor.u32 s7, s6;
	s6 =	sadd.s32 s6, s4;
	s9 =	sshrl.u32 s5, $0x1;
	v4 =	vsel vm1, $0x1301, v4;
	v5 =	vsel vm1, $0x1701, v5;
	v6 =	vsel vm1, $0x1B01, v6  }
0x2e: {  	s4 =	sadd.s32 s8, s4;
	s5 =	ssub.s32 s5, s9;
	s6 =	sadd.s32 s7, s6;
	v7 =	vsel vm1, $0x1F01, v7;
	v0 =	vsel vm15, $0x380, v0;
	v1 =	vsel vm15, $0x780, v1  }
0x2f: {  	s7 =	simm.s32 $0x3;
	s8 =	simm.s32 $0x80;
	s9 =	simm.s32 $0x4000;
	v2 =	vsel vm15, $0xB80, v2;
	v3 =	vsel vm15, $0xF80, v3;
	v4 =	vsel vm15, $0x1380, v4  }
0x30: {  	s4 =	sadd.s32 $0xC4200, s4;
	s5 =	smax.u32 s5, $0x1;
	s6 =	sadd.s32 $0xD4200, s6;
	v5 =	vsel vm15, $0x1780, v5;
	v6 =	vsel vm15, $0x1B80, v6;
	v7 =	vsel vm15, $0x1F80, v7  }
.LBB2_1:
0x31: {  	[tilespmem:s1], [sflag:$0x3] =	stream.linear.gather [hbm4b:s4+s1], $0x4000, $0x38;
	[tilespmem:$0x8100] =	vst v63  }
0x32: {  	_ =	swait.ge [sflag:s7], $0x4000  }
0x33: {  	[sflag:s7] =	ssyncset.done $0x0  }
0x34: {  	[sflag:s7] =	ssyncadd.s32 $0xFFFFC000  }
0x35: {  	v8 =	vld.idx.msk [tilespmem:v0+s1+$0x0], $0xffff;
	_ =	sdelay $0x4  }
0x36: {  	[tilespmem:$0x4000] =	vst v8  }
0x37: {  	v8 =	vld.idx.msk [tilespmem:v1+s1+$0x0], $0xffff;
	_ =	sdelay $0x4  }
0x38: {  	[tilespmem:$0x4010] =	vst v8  }
0x39: {  	v8 =	vld.idx.msk [tilespmem:v2+s1+$0x0], $0xffff;
	_ =	sdelay $0x4  }
0x3a: {  	[tilespmem:$0x4020] =	vst v8  }
0x3b: {  	v8 =	vld.idx.msk [tilespmem:v3+s1+$0x0], $0xffff;
	_ =	sdelay $0x4  }
0x3c: {  	[tilespmem:$0x4030] =	vst v8  }
0x3d: {  	v8 =	vld.idx.msk [tilespmem:v4+s1+$0x0], $0xffff;
	_ =	sdelay $0x4  }
0x3e: {  	[tilespmem:$0x4040] =	vst v8  }
0x3f: {  	v8 =	vld.idx.msk [tilespmem:v5+s1+$0x0], $0xffff;
	_ =	sdelay $0x4  }
0x40: {  	[tilespmem:$0x4050] =	vst v8  }
0x41: {  	v8 =	vld.idx.msk [tilespmem:v6+s1+$0x0], $0xffff;
	_ =	sdelay $0x4  }
0x42: {  	[tilespmem:$0x4060] =	vst v8  }
0x43: {  	v8 =	vld.idx.msk [tilespmem:v7+s1+$0x0], $0xffff  }
0x44: {  	s16 =	simm.s32 $0x2000  }
0x45: {  	v9 =	vor.u32 s16, v0;
	_ =	sdelay $0x2  }
0x46: {  	[tilespmem:$0x4070] =	vst v8  }
0x47: {  	[tilespmem:s10], [sflag:$0x1] =	stream.indirect.gather [hbm4b:s3+s8], $0x40, s9, s8, $0xb8;
	[tilespmem:$0x8100] =	vst v63  }
0x48: {  	s22 =	simm.s32 $0x2400;
	v8 =	vld.idx.msk [tilespmem:v9+s1+$0x0], $0xffff  }
0x49: {  	v9 =	vor.u32 s22, v0;
	_ =	sdelay $0x3  }
0x4a: {  	[tilespmem:$0x4080] =	vst v8  }
0x4b: {  	s23 =	simm.s32 $0x2800;
	v8 =	vld.idx.msk [tilespmem:v9+s1+$0x0], $0xffff  }
0x4c: {  	v9 =	vor.u32 s23, v0;
	_ =	sdelay $0x3  }
0x4d: {  	[tilespmem:$0x4090] =	vst v8  }
0x4e: {  	s24 =	simm.s32 $0x2C00;
	v8 =	vld.idx.msk [tilespmem:v9+s1+$0x0], $0xffff  }
0x4f: {  	v9 =	vor.u32 s24, v0;
	_ =	sdelay $0x3  }
0x50: {  	[tilespmem:$0x40A0] =	vst v8  }
0x51: {  	s25 =	simm.s32 $0x3000;
	v8 =	vld.idx.msk [tilespmem:v9+s1+$0x0], $0xffff  }
0x52: {  	v9 =	vor.u32 s25, v0;
	_ =	sdelay $0x3  }
0x53: {  	[tilespmem:$0x40B0] =	vst v8  }
0x54: {  	s26 =	simm.s32 $0x3400;
	v8 =	vld.idx.msk [tilespmem:v9+s1+$0x0], $0xffff  }
0x55: {  	v9 =	vor.u32 s26, v0;
	_ =	sdelay $0x3  }
0x56: {  	[tilespmem:$0x40C0] =	vst v8  }
0x57: {  	s28 =	simm.s32 $0x3800;
	v8 =	vld.idx.msk [tilespmem:v9+s1+$0x0], $0xffff  }
0x58: {  	v9 =	vor.u32 s28, v0;
	_ =	sdelay $0x2  }
0x59: {  	p0 =	por $0x0, $0x0  }
0x5a: {  	[tilespmem:$0x40D0] =	vst v8;
	v8 =	vimm.s32 @!p0 $0x81800100  }
0x5b: {  	s29 =	simm.s32 $0x3C00;
	v9 =	vld.idx.msk [tilespmem:v9+s1+$0x0], $0xffff;
	v8 =	vunpack.c.0.s8.s32 @!p0 v8  }
0x5c: {  	v10 =	vor.u32 s29, v0  }
0x5d: {  	vm0 =	vcmask @!p0 $0xF00;
	v8 =	vand.u32 @!p0 $0xFF, v8  }
0x5e: {  	v8 =	vnsel @!p0 vm0, $0x381, v8;
	vm0 =	vcmask @!p0 $0x1310  }
0x5f: {  	v8 =	vsel @!p0 vm0, $0x100, v8;
	vm0 =	vcmask @!p0 $0x1714  }
0x60: {  	[tilespmem:$0x40E0] =	vst v9;
	v8 =	vsel @!p0 vm0, $0x101, v8;
	vm0 =	vcmask @!p0 $0x1B18  }
0x61: {  	v9 =	vld.idx.msk [tilespmem:v10+s1+$0x0], $0xffff;
	v8 =	vsel @!p0 vm0, $0x180, v8;
	vm0 =	vcmask @!p0 $0x1F1C  }
0x62: {  	v8 =	vsel @!p0 vm0, $0x181, v8;
	vm0 =	vcmask @!p0 $0x2320  }
0x63: {  	v8 =	vsel @!p0 vm0, $0x200, v8;
	vm0 =	vcmask @!p0 $0x2724  }
0x64: {  	v8 =	vsel @!p0 vm0, $0x201, v8;
	vm0 =	vcmask @!p0 $0x2B28  }
0x65: {  	v8 =	vsel @!p0 vm0, $0x280, v8;
	vm0 =	vcmask @!p0 $0x2F2C  }
0x66: {  	[tilespmem:$0x40F0] =	vst v9;
	v8 =	vsel @!p0 vm0, $0x281, v8;
	vm0 =	vcmask @!p0 $0x3330  }
0x67: {  	[tilespmem:s12], [sflag:$0x2] =	stream.indirect.gather [hbm4b:s3+s8], $0x40, s11, s8, $0xb8;
	v8 =	vsel @!p0 vm0, $0x300, v8;
	vm0 =	vcmask @!p0 $0x3734;
	[tilespmem:$0x8100] =	vst v63  }
0x68: {  	_ =	swait.ge [sflag:s13], $0x2000;
	v8 =	vsel @!p0 vm0, $0x301, v8;
	vm0 =	vcmask @!p0 $0x3B38  }
0x69: {  	s16 =	simm.s32 @!p0 $0x2;
	[sflag:s13] =	ssyncset.done $0x0;
	v8 =	vsel @!p0 vm0, $0x380, v8  }
0x6a: {  	[sflag:s13] =	ssyncadd.s32 $0xFFFFE000;
	v9 =	vor.u32 @!p0 s16, v8  }
0x6b: {  	[hbm4b:s6+s1] =	stream.linear.scatter [tilespmem:s10], [sflag:$0x3], $0x2000, $0x38;
	[tilespmem:$0x8100] =	vst v63  }
0x6c: {  	_ =	swait.ge [sflag:s7], $0x2000  }
0x6d: {  	[sflag:s7] =	ssyncset.done $0x0  }
0x6e: {  	s16 =	simm.s32 @!p0 $0x0;
	[sflag:s7] =	ssyncadd.s32 $0xFFFFE000  }
0x6f: {  	s17 =	simm.s32 @!p0 $0x402;
	v9 =	vld.idx.msk @!p0 [tilespmem:v9+s16+$0x0], $0xffff  }
0x70: {  	v10 =	vor.u32 @!p0 s17, v8;
	_ =	sdelay $0x3  }
0x71: {  	[tilespmem:$0x4000] =	vst @!p0 v9  }
0x72: {  	s17 =	simm.s32 @!p0 $0x802;
	v9 =	vld.idx.msk @!p0 [tilespmem:v10+s16+$0x0], $0xffff  }
0x73: {  	v10 =	vor.u32 @!p0 s17, v8;
	_ =	sdelay $0x3  }
0x74: {  	[tilespmem:$0x4010] =	vst @!p0 v9  }
0x75: {  	s17 =	simm.s32 @!p0 $0xC02;
	v9 =	vld.idx.msk @!p0 [tilespmem:v10+s16+$0x0], $0xffff  }
0x76: {  	v10 =	vor.u32 @!p0 s17, v8;
	_ =	sdelay $0x3  }
0x77: {  	[tilespmem:$0x4020] =	vst @!p0 v9  }
0x78: {  	s17 =	simm.s32 @!p0 $0x1002;
	v9 =	vld.idx.msk @!p0 [tilespmem:v10+s16+$0x0], $0xffff  }
0x79: {  	v10 =	vor.u32 @!p0 s17, v8;
	_ =	sdelay $0x3  }
0x7a: {  	[tilespmem:$0x4030] =	vst @!p0 v9  }
0x7b: {  	s17 =	simm.s32 @!p0 $0x1402;
	v9 =	vld.idx.msk @!p0 [tilespmem:v10+s16+$0x0], $0xffff  }
0x7c: {  	v10 =	vor.u32 @!p0 s17, v8;
	_ =	sdelay $0x3  }
0x7d: {  	[tilespmem:$0x4040] =	vst @!p0 v9  }
0x7e: {  	s17 =	simm.s32 @!p0 $0x1802;
	v9 =	vld.idx.msk @!p0 [tilespmem:v10+s16+$0x0], $0xffff  }
0x7f: {  	v10 =	vor.u32 @!p0 s17, v8;
	_ =	sdelay $0x3  }
0x80: {  	[tilespmem:$0x4050] =	vst @!p0 v9  }
0x81: {  	s17 =	simm.s32 @!p0 $0x1C02;
	v9 =	vld.idx.msk @!p0 [tilespmem:v10+s16+$0x0], $0xffff  }
0x82: {  	v8 =	vor.u32 @!p0 s17, v8;
	_ =	sdelay $0x3  }
0x83: {  	[tilespmem:$0x4060] =	vst @!p0 v9  }
0x84: {  	v8 =	vld.idx.msk @!p0 [tilespmem:v8+s16+$0x0], $0xffff;
	_ =	sdelay $0x4  }
0x85: {  	s18 =	simm.s32 @!p0 $0x4100;
	s17 =	simm.s32 @!p0 $0x4000;
	s16 =	simm.s32 @!p0 $0x80;
	[tilespmem:$0x4070] =	vst @!p0 v8  }
0x86: {  	[tilespmem:s18], [sflag:$0x1] =	stream.indirect.gather @!p0 [hbm4b:s3+s16], $0x40, s17, s16, $0xb8;
	[tilespmem:$0x8100] =	vst v63  }
0x87: {  	_ =	swait.ge [sflag:s14], $0x2000  }
0x88: {  	[sflag:s14] =	ssyncset.done $0x0  }
0x89: {  	s30 =	sadd.s32 $0x400, s6;
	s31 =	simm.s32 $0x2002;
	[sflag:s14] =	ssyncadd.s32 $0xFFFFE000  }
0x8a: {  	v8 =	vor.u32 s31, v0;
	[hbm4b:s30+s1] =	stream.linear.scatter [tilespmem:s12], [sflag:$0x3], $0x2000, $0x38;
	[tilespmem:$0x8100] =	vst v63  }
0x8b: {  	s16 =	simm.s32 $0x3C02;
	_ =	swait.ge [sflag:s7], $0x2000  }
0x8c: {  	s18 =	simm.s32 $0x3C04;
	s17 =	smov.u32 s6;
	[sflag:s7] =	ssyncset.done $0x0  }
.LBB2_2:
0x8d: {  	[sflag:s7] =	ssyncadd.s32 $0xFFFFE000  }
0x8e: {  	s17 =	sadd.s32 $0x10000, s17;
	s19 =	smov.u32 s18;
	s18 =	sadd.s32 $0x2, s18  }
0x8f: {  	p0 =	sne.s32 s18, $0x3C18;
	v8 =	vld.idx.msk [tilespmem:v8+s1+$0x0], $0xffff  }
0x90: {  	s20 =	sadd.s32 $0xFFFFE800, s16  }
0x91: {  	v9 =	vor.u32 s20, v0;
	_ =	sdelay $0x3  }
0x92: {  	[tilespmem:$0x4080] =	vst v8  }
0x93: {  	v8 =	vld.idx.msk [tilespmem:v9+s1+$0x0], $0xffff  }
0x94: {  	s20 =	sadd.s32 $0xFFFFEC00, s16  }
0x95: {  	v9 =	vor.u32 s20, v0;
	_ =	sdelay $0x3  }
0x96: {  	[tilespmem:$0x4090] =	vst v8  }
0x97: {  	v8 =	vld.idx.msk [tilespmem:v9+s1+$0x0], $0xffff  }
0x98: {  	s20 =	sadd.s32 $0xFFFFF000, s16  }
0x99: {  	v9 =	vor.u32 s20, v0;
	_ =	sdelay $0x3  }
0x9a: {  	[tilespmem:$0x40A0] =	vst v8  }
0x9b: {  	v8 =	vld.idx.msk [tilespmem:v9+s1+$0x0], $0xffff  }
0x9c: {  	s20 =	sadd.s32 $0xFFFFF400, s16  }
0x9d: {  	v9 =	vor.u32 s20, v0;
	_ =	sdelay $0x3  }
0x9e: {  	[tilespmem:$0x40B0] =	vst v8  }
0x9f: {  	v8 =	vld.idx.msk [tilespmem:v9+s1+$0x0], $0xffff  }
0xa0: {  	s20 =	sadd.s32 $0xFFFFF800, s16  }
0xa1: {  	v9 =	vor.u32 s20, v0;
	_ =	sdelay $0x3  }
0xa2: {  	[tilespmem:$0x40C0] =	vst v8  }
0xa3: {  	v8 =	vld.idx.msk [tilespmem:v9+s1+$0x0], $0xffff  }
0xa4: {  	s20 =	sadd.s32 $0xFFFFFC00, s16  }
0xa5: {  	v9 =	vor.u32 s20, v0;
	_ =	sdelay $0x3  }
0xa6: {  	[tilespmem:$0x40D0] =	vst v8  }
0xa7: {  	p1 =	seq.s32 s16, $0x3C16;
	v8 =	vld.idx.msk [tilespmem:v9+s1+$0x0], $0xffff  }
0xa8: {  	v9 =	vimm.s32 @!p1 $0x81800100  }
0xa9: {  	v10 =	vor.u32 s16, v0;
	v9 =	vunpack.c.0.s8.s32 @!p1 v9;
	_ =	sdelay $0x1  }
0xaa: {  	vm0 =	vcmask @!p1 $0xF00;
	v9 =	vand.u32 @!p1 $0xFF, v9  }
0xab: {  	v9 =	vnsel @!p1 vm0, $0x381, v9;
	vm0 =	vcmask @!p1 $0x1310  }
0xac: {  	[tilespmem:$0x40E0] =	vst v8;
	v8 =	vsel @!p1 vm0, $0x100, v9;
	vm0 =	vcmask @!p1 $0x1714  }
0xad: {  	v9 =	vld.idx.msk [tilespmem:v10+s1+$0x0], $0xffff;
	v8 =	vsel @!p1 vm0, $0x101, v8;
	vm0 =	vcmask @!p1 $0x1B18  }
0xae: {  	v8 =	vsel @!p1 vm0, $0x180, v8;
	vm0 =	vcmask @!p1 $0x1F1C  }
0xaf: {  	v8 =	vsel @!p1 vm0, $0x181, v8;
	vm0 =	vcmask @!p1 $0x2320  }
0xb0: {  	v8 =	vsel @!p1 vm0, $0x200, v8;
	vm0 =	vcmask @!p1 $0x2724  }
0xb1: {  	v8 =	vsel @!p1 vm0, $0x201, v8;
	vm0 =	vcmask @!p1 $0x2B28  }
0xb2: {  	v8 =	vsel @!p1 vm0, $0x280, v8;
	vm0 =	vcmask @!p1 $0x2F2C  }
0xb3: {  	s21 =	sadd.s32 @!p1 $0xFFFFE002, s16;
	s20 =	sadd.s32 @!p1 $0xFFFFD802, s16;
	[tilespmem:$0x40F0] =	vst v9;
	v8 =	vsel @!p1 vm0, $0x281, v8;
	vm0 =	vcmask @!p1 $0x3330  }
0xb4: {  	[tilespmem:s12], [sflag:$0x2] =	stream.indirect.gather [hbm4b:s3+s8], $0x40, s11, s8, $0xb8;
	v8 =	vsel @!p1 vm0, $0x300, v8;
	vm0 =	vcmask @!p1 $0x3734;
	[tilespmem:$0x8100] =	vst v63  }
0xb5: {  	s22 =	sadd.s32 @!p1 $0xFFFFC402, s16;
	s23 =	sadd.s32 @!p1 $0xFFFFDC02, s16;
	_ =	swait.ge [sflag:s13], $0x2000;
	v8 =	vsel @!p1 vm0, $0x301, v8;
	vm0 =	vcmask @!p1 $0x3B38  }
0xb6: {  	s24 =	sadd.s32 @!p1 $0xFFFFC802, s16;
	s25 =	sadd.s32 @!p1 $0xFFFFCC02, s16;
	[sflag:s13] =	ssyncset.done $0x0;
	v8 =	vsel @!p1 vm0, $0x380, v8  }
0xb7: {  	[sflag:s13] =	ssyncadd.s32 $0xFFFFE000;
	v9 =	vor.u32 @!p1 s22, v8;
	v10 =	vor.u32 @!p1 s24, v8;
	v11 =	vor.u32 @!p1 s25, v8;
	s22 =	sadd.s32 @!p1 $0xFFFFD002, s16;
	s16 =	sadd.s32 @!p1 $0xFFFFD402, s16  }
0xb8: {  	v14 =	vor.u32 @!p1 s20, v8;
	[hbm4b:s17+s1] =	stream.linear.scatter [tilespmem:s10], [sflag:$0x3], $0x2000, $0x38;
	v12 =	vor.u32 @!p1 s22, v8;
	v13 =	vor.u32 @!p1 s16, v8;
	[tilespmem:$0x8100] =	vst v63  }
0xb9: {  	v15 =	vor.u32 @!p1 s23, v8;
	v8 =	vor.u32 @!p1 s21, v8;
	s16 =	smov.u32 s19;
	_ =	swait.ge [sflag:s7], $0x2000  }
0xba: {  	[sflag:s7] =	ssyncset.done $0x0  }
0xbb: {  	s19 =	simm.s32 @!p1 $0x0;
	[sflag:s7] =	ssyncadd.s32 $0xFFFFE000  }
0xbc: {  	v9 =	vld.idx.msk @!p1 [tilespmem:v9+s19+$0x0], $0xffff;
	_ =	sdelay $0x5  }
0xbd: {  	[tilespmem:$0x4000] =	vst @!p1 v9  }
0xbe: {  	v9 =	vld.idx.msk @!p1 [tilespmem:v10+s19+$0x0], $0xffff;
	_ =	sdelay $0x5  }
0xbf: {  	[tilespmem:$0x4010] =	vst @!p1 v9  }
0xc0: {  	v9 =	vld.idx.msk @!p1 [tilespmem:v11+s19+$0x0], $0xffff;
	_ =	sdelay $0x5  }
0xc1: {  	[tilespmem:$0x4020] =	vst @!p1 v9  }
0xc2: {  	v9 =	vld.idx.msk @!p1 [tilespmem:v12+s19+$0x0], $0xffff;
	_ =	sdelay $0x5  }
0xc3: {  	[tilespmem:$0x4030] =	vst @!p1 v9  }
0xc4: {  	v9 =	vld.idx.msk @!p1 [tilespmem:v13+s19+$0x0], $0xffff;
	_ =	sdelay $0x5  }
0xc5: {  	[tilespmem:$0x4040] =	vst @!p1 v9  }
0xc6: {  	v9 =	vld.idx.msk @!p1 [tilespmem:v14+s19+$0x0], $0xffff;
	_ =	sdelay $0x5  }
0xc7: {  	[tilespmem:$0x4050] =	vst @!p1 v9  }
0xc8: {  	v9 =	vld.idx.msk @!p1 [tilespmem:v15+s19+$0x0], $0xffff;
	_ =	sdelay $0x5  }
0xc9: {  	[tilespmem:$0x4060] =	vst @!p1 v9  }
0xca: {  	v8 =	vld.idx.msk @!p1 [tilespmem:v8+s19+$0x0], $0xffff;
	_ =	sdelay $0x5  }
0xcb: {  	s20 =	simm.s32 @!p1 $0x4000;
	s21 =	simm.s32 @!p1 $0x4100;
	s19 =	simm.s32 @!p1 $0x80;
	[tilespmem:$0x4070] =	vst @!p1 v8  }
0xcc: {  	[tilespmem:s21], [sflag:$0x1] =	stream.indirect.gather @!p1 [hbm4b:s3+s19], $0x40, s20, s19, $0xb8;
	[tilespmem:$0x8100] =	vst v63  }
0xcd: {  	_ =	swait.ge [sflag:s14], $0x2000  }
.Ltmp0:
0xce: {  	s19 =	sadd.s32 $0xFFFFE400, s16;
	[sflag:s14] =	ssyncset.done $0x0;
	(pc) =	sbr.rel @p0 .LBB2_2-.Ltmp0, $4  }
0xcf: {  	v8 =	vor.u32 s19, v0;
	s19 =	sadd.s32 $0x400, s17;
	[sflag:s14] =	ssyncadd.s32 $0xFFFFE000  }
0xd0: {  	[hbm4b:s19+s1] =	stream.linear.scatter [tilespmem:s12], [sflag:$0x3], $0x2000, $0x38;
	[tilespmem:$0x8100] =	vst v63  }
0xd1: {  	_ =	swait.ge [sflag:s7], $0x2000  }
0xd2: {  	[sflag:s7] =	ssyncset.done $0x0  }
0xd3: {  	_ =	sdelay $0x2  }
0xd4: {  	[sflag:s7] =	ssyncadd.s32 $0xFFFFE000  }
0xd5: {  	s18 =	sadd.s32 $0xFFFFE800, s16;
	v8 =	vld.idx.msk [tilespmem:v8+s1+$0x0], $0xffff  }
0xd6: {  	v9 =	vor.u32 s18, v0;
	_ =	sdelay $0x3  }
0xd7: {  	[tilespmem:$0x4080] =	vst v8  }
0xd8: {  	s25 =	sadd.s32 $0xFFFFEC00, s16;
	v8 =	vld.idx.msk [tilespmem:v9+s1+$0x0], $0xffff  }
0xd9: {  	v59 =	vor.u32 s25, v0;
	_ =	sdelay $0x3  }
0xda: {  	[tilespmem:$0x4090] =	vst v8  }
0xdb: {  	s26 =	sadd.s32 $0xFFFFF000, s16;
	v8 =	vld.idx.msk [tilespmem:v59+s1+$0x0], $0xffff  }
0xdc: {  	v60 =	vor.u32 s26, v0;
	_ =	sdelay $0x3  }
0xdd: {  	[tilespmem:$0x40A0] =	vst v8  }
0xde: {  	s28 =	sadd.s32 $0xFFFFF400, s16;
	v8 =	vld.idx.msk [tilespmem:v60+s1+$0x0], $0xffff  }
0xdf: {  	v61 =	vor.u32 s28, v0;
	_ =	sdelay $0x3  }
0xe0: {  	[tilespmem:$0x40B0] =	vst v8  }
0xe1: {  	s29 =	sadd.s32 $0xFFFFF800, s16;
	v8 =	vld.idx.msk [tilespmem:v61+s1+$0x0], $0xffff  }
0xe2: {  	v62 =	vor.u32 s29, v0;
	_ =	sdelay $0x3  }
0xe3: {  	[tilespmem:$0x40C0] =	vst v8  }
0xe4: {  	s30 =	sadd.s32 $0xFFFFFC00, s16;
	v8 =	vld.idx.msk [tilespmem:v62+s1+$0x0], $0xffff  }
0xe5: {  	v63 =	vor.u32 s30, v0;
	_ =	sdelay $0x2  }
0xe6: {  	p0 =	seq.s32 s16, $0x3C16  }
0xe7: {  	[tilespmem:$0x40D0] =	vst v8;
	v8 =	vimm.s32 @!p0 $0x81800100  }
0xe8: {  	v9 =	vld.idx.msk [tilespmem:v63+s1+$0x0], $0xffff;
	v8 =	vunpack.c.0.s8.s32 @!p0 v8  }
0xe9: {  	v10 =	vor.u32 s16, v0  }
0xea: {  	vm0 =	vcmask @!p0 $0xF00;
	v8 =	vand.u32 @!p0 $0xFF, v8  }
0xeb: {  	v8 =	vnsel @!p0 vm0, $0x381, v8;
	vm0 =	vcmask @!p0 $0x1310  }
0xec: {  	v8 =	vsel @!p0 vm0, $0x100, v8;
	vm0 =	vcmask @!p0 $0x1714  }
0xed: {  	[tilespmem:$0x40E0] =	vst v9;
	v8 =	vsel @!p0 vm0, $0x101, v8;
	vm0 =	vcmask @!p0 $0x1B18  }
0xee: {  	v9 =	vld.idx.msk [tilespmem:v10+s1+$0x0], $0xffff;
	v8 =	vsel @!p0 vm0, $0x180, v8;
	vm0 =	vcmask @!p0 $0x1F1C  }
0xef: {  	v8 =	vsel @!p0 vm0, $0x181, v8;
	vm0 =	vcmask @!p0 $0x2320  }
0xf0: {  	v8 =	vsel @!p0 vm0, $0x200, v8;
	vm0 =	vcmask @!p0 $0x2724  }
0xf1: {  	v8 =	vsel @!p0 vm0, $0x201, v8;
	vm0 =	vcmask @!p0 $0x2B28  }
0xf2: {  	v8 =	vsel @!p0 vm0, $0x280, v8;
	vm0 =	vcmask @!p0 $0x2F2C  }
0xf3: {  	[tilespmem:$0x40F0] =	vst v9;
	v8 =	vsel @!p0 vm0, $0x281, v8;
	vm0 =	vcmask @!p0 $0x3330  }
0xf4: {  	[tilespmem:s12], [sflag:$0x2] =	stream.indirect.gather [hbm4b:s3+s8], $0x40, s11, s8, $0xb8;
	v8 =	vsel @!p0 vm0, $0x300, v8;
	vm0 =	vcmask @!p0 $0x3734;
	[tilespmem:$0x8100] =	vst v63  }
0xf5: {  	_ =	swait.ge [sflag:s13], $0x2000;
	v8 =	vsel @!p0 vm0, $0x301, v8;
	vm0 =	vcmask @!p0 $0x3B38  }
0xf6: {  	s18 =	sadd.s32 @!p0 $0xFFFFC402, s16;
	[sflag:s13] =	ssyncset.done $0x0;
	v8 =	vsel @!p0 vm0, $0x380, v8  }
0xf7: {  	s17 =	sadd.s32 $0x10000, s17;
	[sflag:s13] =	ssyncadd.s32 $0xFFFFE000;
	v9 =	vor.u32 @!p0 s18, v8  }
0xf8: {  	[hbm4b:s17+s1] =	stream.linear.scatter [tilespmem:s10], [sflag:$0x3], $0x2000, $0x38;
	[tilespmem:$0x8100] =	vst v63  }
0xf9: {  	_ =	swait.ge [sflag:s7], $0x2000  }
0xfa: {  	[sflag:s7] =	ssyncset.done $0x0  }
0xfb: {  	s18 =	simm.s32 @!p0 $0x0;
	[sflag:s7] =	ssyncadd.s32 $0xFFFFE000  }
0xfc: {  	s19 =	sadd.s32 @!p0 $0xFFFFC802, s16;
	v9 =	vld.idx.msk @!p0 [tilespmem:v9+s18+$0x0], $0xffff  }
0xfd: {  	v10 =	vor.u32 @!p0 s19, v8;
	_ =	sdelay $0x3  }
0xfe: {  	[tilespmem:$0x4000] =	vst @!p0 v9  }
0xff: {  	s19 =	sadd.s32 @!p0 $0xFFFFCC02, s16;
	v9 =	vld.idx.msk @!p0 [tilespmem:v10+s18+$0x0], $0xffff  }
0x100: {  	v10 =	vor.u32 @!p0 s19, v8;
	_ =	sdelay $0x3  }
0x101: {  	[tilespmem:$0x4010] =	vst @!p0 v9  }
0x102: {  	s19 =	sadd.s32 @!p0 $0xFFFFD002, s16;
	v9 =	vld.idx.msk @!p0 [tilespmem:v10+s18+$0x0], $0xffff  }
0x103: {  	v10 =	vor.u32 @!p0 s19, v8;
	_ =	sdelay $0x3  }
0x104: {  	[tilespmem:$0x4020] =	vst @!p0 v9  }
0x105: {  	s19 =	sadd.s32 @!p0 $0xFFFFD402, s16;
	v9 =	vld.idx.msk @!p0 [tilespmem:v10+s18+$0x0], $0xffff  }
0x106: {  	v10 =	vor.u32 @!p0 s19, v8;
	_ =	sdelay $0x3  }
0x107: {  	[tilespmem:$0x4030] =	vst @!p0 v9  }
0x108: {  	s19 =	sadd.s32 @!p0 $0xFFFFD802, s16;
	v9 =	vld.idx.msk @!p0 [tilespmem:v10+s18+$0x0], $0xffff  }
0x109: {  	v10 =	vor.u32 @!p0 s19, v8;
	_ =	sdelay $0x3  }
0x10a: {  	[tilespmem:$0x4040] =	vst @!p0 v9  }
0x10b: {  	s19 =	sadd.s32 @!p0 $0xFFFFDC02, s16;
	v9 =	vld.idx.msk @!p0 [tilespmem:v10+s18+$0x0], $0xffff  }
0x10c: {  	v10 =	vor.u32 @!p0 s19, v8;
	_ =	sdelay $0x3  }
0x10d: {  	[tilespmem:$0x4050] =	vst @!p0 v9  }
0x10e: {  	s16 =	sadd.s32 @!p0 $0xFFFFE002, s16;
	v9 =	vld.idx.msk @!p0 [tilespmem:v10+s18+$0x0], $0xffff  }
0x10f: {  	v8 =	vor.u32 @!p0 s16, v8;
	_ =	sdelay $0x3  }
0x110: {  	[tilespmem:$0x4060] =	vst @!p0 v9  }
0x111: {  	v8 =	vld.idx.msk @!p0 [tilespmem:v8+s18+$0x0], $0xffff;
	_ =	sdelay $0x4  }
0x112: {  	s16 =	simm.s32 @!p0 $0x80;
	s19 =	simm.s32 @!p0 $0x4100;
	s18 =	simm.s32 @!p0 $0x4000;
	[tilespmem:$0x4070] =	vst @!p0 v8  }
0x113: {  	[tilespmem:s19], [sflag:$0x1] =	stream.indirect.gather @!p0 [hbm4b:s3+s16], $0x40, s18, s16, $0xb8;
	[tilespmem:$0x8100] =	vst v63  }
0x114: {  	s15 =	sadd.s32 $0x1, s15;
	_ =	swait.ge [sflag:s14], $0x2000  }
0x115: {  	p0 =	sne.s32 s15, s5;
	[sflag:s14] =	ssyncset.done $0x0  }
.Ltmp1:
0x116: {  	s31 =	sadd.s32 $0x400, s17;
	[sflag:s14] =	ssyncadd.s32 $0xFFFFE000;
	(pc) =	sbr.rel @p0 .LBB2_1-.Ltmp1, $4  }
0x117: {  	[hbm4b:s31+s1] =	stream.linear.scatter [tilespmem:s12], [sflag:$0x3], $0x2000, $0x38;
	[tilespmem:$0x8100] =	vst v63  }
0x118: {  	_ =	swait.ge [sflag:s7], $0x2000  }
0x119: {  	[sflag:s7] =	ssyncset.done $0x0  }
0x11a: {  	[sflag:s7] =	ssyncadd.s32 $0xFFFFE000  }
0x11b: {  	_ =	sfence.sel $0x180000  }
0x11c: {  	[bflag:$0x0] =	sbarrier.arrive $0xFFFF  }
0x11d: {  	p0 =	sne.s32 s2, $0x0;
	_ =	strace $0x90000047  }
0x11e: {  	s0 =	sadd.s32 @!p0 $0x100000, s0;
	[bflag:$0x2] =	sbarrier.arrive $0xFFFF  }
0x11f: {  	[sflag:s0] =	ssyncadd.tile.s32 @!p0 $0x1;
	_ =	shalt  }
.Lfunc_end2:
_tile_overlayer_lowered:
.L_overlay_start_2:
0x120: {  	(tag) =	ssettag $0x2  }
0x121: {  	s0 =	rddreg [dreg:$0x0];
	s2 =	stileid.u32  }
0x122: {  	s1 =	rddreg [dreg:$0x1];
	p0 =	sne.s32 s2, $0x0  }
0x123: {  	s3 =	rddreg [dreg:$0x2];
	[bflag:$0x3] =	sbarrier.arrive $0xFFFF;
	s2 =	simm.s32 @!p0 $0x1C03  }
0x124: {  	[timem:s3], [sflag:s2] =	dma.local @!p0 [hbm:s0], s1  }
0x125: {  	s0 =	simm.s32 @!p0 $0x3  }
0x126: {  	_ =	swait.ge @!p0 [sflag:s0], s1  }
0x127: {  	s1 =	ssub.s32 @!p0 $0x0, s1;
	[sflag:s0] =	ssyncset.done @!p0 $0x0  }
0x128: {  	[sflag:s0] =	ssyncadd.s32 @!p0 s1  }
0x129: {  	[bflag:$0x3] =	sbarrier.arrive $0xFFFF  }
0x12a: {  	_ =	shalt  }

</sc_bundles>
